<compile_context>
chip_gen: v7x
topology: tpu7x:2x2x1
jax: 0.10.2.dev20260603
libtpu: 0.0.44.dev20260713+nightly
codegen_flags: <defaults>
</compile_context>

<pallas_src>
import functools

import jax
import jax.numpy as jnp
import numpy as np
from jax import lax
from jax.experimental import pallas as pl
from jax.experimental.pallas import tpu as pltpu
from jax.experimental.pallas import tpu_sc as plsc

_MASK_PCT = 0.75
_B = 64
_NP = 1024
_D = 192
_N_MASKED = int(_MASK_PCT * _NP)
_N_UNMASKED = _NP - _N_MASKED
_NW = 32
_SC_B = 40
_TC_B = _B - _SC_B
_SC_ROWS = _SC_B * _D
_ROWS_PER_TILE = _SC_ROWS // _NW
_RCHUNK = 24
_NCHUNK = _ROWS_PER_TILE // _RCHUNK
_LANES = 16


def _threefry2x32(k0, k1, x0, x1):
    rot = ((13, 15, 26, 6), (17, 29, 16, 24))
    ks = [np.uint32(k0), np.uint32(k1),
          np.uint32(0x1BD11BDA) ^ np.uint32(k0) ^ np.uint32(k1)]
    x0 = (np.asarray(x0, np.uint32) + ks[0]).astype(np.uint32)
    x1 = (np.asarray(x1, np.uint32) + ks[1]).astype(np.uint32)
    for i in range(5):
        for r in rot[i % 2]:
            x0 = (x0 + x1).astype(np.uint32)
            x1 = ((x1 << np.uint32(r)) | (x1 >> np.uint32(32 - r))).astype(np.uint32)
            x1 = (x1 ^ x0).astype(np.uint32)
        x0 = (x0 + ks[(i + 1) % 3]).astype(np.uint32)
        x1 = (x1 + ks[(i + 2) % 3] + np.uint32(i + 1)).astype(np.uint32)
    return x0, x1


@functools.lru_cache(maxsize=1)
def _mask_constants():
    k0, k1 = _threefry2x32(0, 0, 0, 1)
    i = np.arange(_B * _NP, dtype=np.uint64)
    b0, b1 = _threefry2x32(k0, k1,
                           (i >> np.uint64(32)).astype(np.uint32),
                           (i & np.uint64(0xFFFFFFFF)).astype(np.uint32))
    bits = (b0 ^ b1).reshape(_B, _NP)
    scores = (((bits >> np.uint32(9)) | np.uint32(0x3F800000)).view(np.float32)
              - np.float32(1.0))
    perm = np.argsort(scores, axis=1, kind="stable")
    masked = np.sort(perm[:, :_N_MASKED], axis=1).astype(np.int32)
    unmasked = np.sort(perm[:, _N_MASKED:], axis=1).astype(np.int32)
    bool_mask = np.ones((_B, _NP), dtype=bool)
    np.put_along_axis(bool_mask, unmasked, False, axis=1)
    return masked, unmasked, bool_mask


_CONSTS = _mask_constants()

_sc_mesh = plsc.VectorSubcoreMesh(core_axis_name="c", subcore_axis_name="s")


@functools.partial(
    pl.kernel,
    mesh=_sc_mesh,
    compiler_params=pltpu.CompilerParams(needs_layout_passes=False),
    out_type=jax.ShapeDtypeStruct((_SC_ROWS, _N_UNMASKED), jnp.float32),
    scratch_types=[
        pltpu.VMEM((2, _RCHUNK, _NP), jnp.float32),
        pltpu.VMEM((2, _RCHUNK, _N_UNMASKED), jnp.float32),
        pltpu.VMEM((2 * _N_UNMASKED,), jnp.int32),
        pltpu.SemaphoreType.DMA,
        pltpu.SemaphoreType.DMA,
    ],
)
def _sc_compact(emb_hbm, idx_hbm, out_hbm, in_v, out_v, idx_v, in_sem, out_sem):
    wid = lax.axis_index("s") * 2 + lax.axis_index("c")
    row0 = wid * _ROWS_PER_TILE
    b0 = (wid * 5) // 4
    boundary = (b0 + 1) * _D
    pltpu.sync_copy(idx_hbm.at[pl.ds(b0 * _N_UNMASKED, 2 * _N_UNMASKED)],
                    idx_v)

    def start_in(gkk, buf):
        pltpu.async_copy(emb_hbm.at[pl.ds(row0 + gkk * _RCHUNK, _RCHUNK)],
                         in_v.at[buf], in_sem)

    def wait_in(buf):
        pltpu.make_async_copy(emb_hbm.at[pl.ds(0, _RCHUNK)], in_v.at[buf],
                              in_sem).wait()

    def start_out(gkk, buf):
        pltpu.async_copy(out_v.at[buf],
                         out_hbm.at[pl.ds(row0 + gkk * _RCHUNK, _RCHUNK)],
                         out_sem)

    def wait_out(buf):
        pltpu.make_async_copy(out_v.at[buf], out_hbm.at[pl.ds(0, _RCHUNK)],
                              out_sem).wait()

    start_in(0, 0)

    def pair_body(p, c):
        for parity in (0, 1):
            gkk = 2 * p + parity

            @pl.when(gkk + 1 < 2 * (_NCHUNK // 2))
            def _():
                start_in(gkk + 1, 1 - parity)

            wait_in(parity)
            @pl.when(gkk >= 2)
            def _():
                wait_out(parity)
            ioff = jnp.where(row0 + gkk * _RCHUNK >= boundary, _N_UNMASKED, 0)
            idxs = tuple(
                idx_v[pl.ds(ioff + j * _LANES, _LANES)]
                for j in range(_N_UNMASKED // _LANES))

            def row_body(r, rvec):
                for j in range(_N_UNMASKED // _LANES):
                    out_v[parity, r, pl.ds(j * _LANES, _LANES)] = \
                        plsc.load_gather(in_v.at[parity], [rvec, idxs[j]])
                return rvec + 1

            lax.fori_loop(0, _RCHUNK, row_body,
                          jnp.zeros((_LANES,), jnp.int32), unroll=False)
            start_out(gkk, parity)
        return c

    lax.fori_loop(0, _NCHUNK // 2, pair_body, 0, unroll=False)
    wait_out(0)
    wait_out(1)


def _tc_body(emb_ref, idx_ref, out_ref):
    idxrow = idx_ref[0, 0, :]
    iota = lax.broadcasted_iota(jnp.int32, (_NP, _N_UNMASKED), 0)
    onehot = (iota == idxrow[None, :]).astype(jnp.float32)
    out_ref[0] = jax.lax.dot_general(
        emb_ref[0], onehot, (((1,), (0,)), ((), ())),
        preferred_element_type=jnp.float32,
        precision=jax.lax.Precision.HIGHEST)


_tc_select = pl.pallas_call(
    _tc_body,
    grid=(_TC_B,),
    in_specs=[
        pl.BlockSpec((1, _D, _NP), lambda i: (_SC_B + i, 0, 0)),
        pl.BlockSpec((1, 1, _N_UNMASKED), lambda i: (i, 0, 0)),
    ],
    out_specs=pl.BlockSpec((1, _D, _N_UNMASKED), lambda i: (i, 0, 0)),
    out_shape=jax.ShapeDtypeStruct((_TC_B, _D, _N_UNMASKED), jnp.float32),
)


def kernel(patch_embeddings):
    masked, unmasked, bool_mask = _CONSTS
    emb_t3 = jnp.transpose(patch_embeddings, (0, 2, 1))
    emb_t = emb_t3.reshape(_B * _D, _NP)
    sc_out = _sc_compact(emb_t, jnp.asarray(unmasked[:_SC_B].reshape(-1)))
    tc_out = _tc_select(emb_t3,
                        jnp.asarray(unmasked[_SC_B:].reshape(_TC_B, 1,
                                                             _N_UNMASKED)))
    out = jnp.concatenate(
        [sc_out.reshape(_SC_B, _D, _N_UNMASKED), tc_out], axis=0)
    unmasked_patches = jnp.transpose(out, (0, 2, 1))
    return (
        unmasked_patches,
        jnp.asarray(bool_mask),
        jnp.asarray(masked),
        jnp.asarray(unmasked),
    )

# --- scband reference (transcript-rebuilt; emitter-appended) ---
"""Pipeline reference for scband-mask-36129264894375 (READ-ONLY COPY).

The authoritative reference and input builder live on the scoring server;
editing this copy changes nothing except your own understanding.
"""

import jax, jax.numpy as jnp
import numpy as np

MASKING_PERCENTAGE = 0.75

def setup_inputs(seed: int = 0) -> dict:
    key = jax.random.key(seed)
    patch_embeddings = jax.random.normal(key, (64, 1024, 192), dtype=jnp.float32)
    return {"patch_embeddings": patch_embeddings}

def reference(patch_embeddings):
    B, num_patches, embed_dim = patch_embeddings.shape
    total_patches_to_mask = int(MASKING_PERCENTAGE * num_patches)
    # 'frame' strategy == _random_masking: random permutation via argsort of uniform scores
    rkey = jax.random.fold_in(jax.random.key(0), 1)
    scores = jax.random.uniform(rkey, (B, num_patches), dtype=jnp.float32)
    perm = jnp.argsort(scores, axis=1)
    masked_indices = jnp.sort(perm[:, :total_patches_to_mask], axis=1)
    unmasked_indices = jnp.sort(perm[:, total_patches_to_mask:], axis=1)
    batch_indices = jnp.arange(B)[:, None]
    # gather only the unmasked patches: [B, num_unmasked, embed_dim]
    unmasked_patches_only = patch_embeddings[batch_indices, unmasked_indices]
    # bool mask: True at masked positions, scatter False at unmasked positions
    bool_mask = jnp.ones((B, num_patches), dtype=bool)
    bool_mask = jax.vmap(lambda m, idx: m.at[idx].set(False))(bool_mask, unmasked_indices)
    return (unmasked_patches_only, bool_mask, masked_indices, unmasked_indices)

if __name__ == "__main__":
    import jax
    _d = setup_inputs()
    print(jax.jit(kernel)(*tuple(_d.values())))

</pallas_src>

<mosaic_0001>
#map = affine_map<(d0, d1) -> (0, 0)>
#map1 = affine_map<(d0, d1) -> (0)>
module attributes {stable_mosaic.version = 14 : i64} {
  func.func @_sc_compact(%arg0: i32, %arg1: i32, %arg2: memref<12288x1024xf32, #tpu.memory_space<hbm>>, %arg3: memref<10240xi32, #tpu.memory_space<hbm>>, %arg4: memref<7680x256xf32, #tpu.memory_space<hbm>>, %arg5: memref<2x24x1024xf32, #tpu.memory_space<vmem>>, %arg6: memref<2x24x256xf32, #tpu.memory_space<vmem>>, %arg7: memref<512xi32, #tpu.memory_space<vmem>>, %arg8: memref<!tpu.dma_semaphore, #tpu.memory_space<semaphore_mem>>, %arg9: memref<!tpu.dma_semaphore, #tpu.memory_space<semaphore_mem>>) attributes {dimension_semantics = [#tpu.dimension_semantics<core_parallel>, #tpu.dimension_semantics<subcore_parallel>], iteration_bounds = array<i64: 2, 16>, scalar_prefetch = 0 : i64, scratch_operands = 5 : i64, tpu.core_type = #tpu.core_type<sc_vector_subcore>, window_params = [{transform_indices = #map}, {transform_indices = #map1}, {transform_indices = #map}]} {
    %mul3A = arith.constant 2 : i32
    %mul3A_0 = arith.muli %arg1, %mul3A : i32
    %add3A = arith.addi %mul3A_0, %arg0 : i32
    %mul3A_1 = arith.constant 240 : i32
    %mul3A_2 = arith.muli %add3A, %mul3A_1 : i32
    %mul3A_3 = arith.constant 5 : i32
    %mul3A_4 = arith.muli %add3A, %mul3A_3 : i32
    %jit3A = arith.constant 4 : i32
    %div3A = arith.divsi %mul3A_4, %jit3A : i32
    %sign3A = arith.constant 0 : i32
    %sign3A_5 = arith.cmpi sgt, %mul3A_4, %sign3A : i32
    %sign3A_6 = arith.extui %sign3A_5 : i1 to i32
    %sign3A_7 = arith.constant 0 : i32
    %sign3A_8 = arith.cmpi slt, %mul3A_4, %sign3A_7 : i32
    %sign3A_9 = arith.extui %sign3A_8 : i1 to i32
    %sign3A_10 = arith.subi %sign3A_6, %sign3A_9 : i32
    %sign3A_11 = arith.constant 0 : i32
    %sign3A_12 = arith.cmpi sgt, %jit3A, %sign3A_11 : i32
    %sign3A_13 = arith.extui %sign3A_12 : i1 to i32
    %sign3A_14 = arith.constant 0 : i32
    %sign3A_15 = arith.cmpi slt, %jit3A, %sign3A_14 : i32
    %sign3A_16 = arith.extui %sign3A_15 : i1 to i32
    %sign3A_17 = arith.subi %sign3A_13, %sign3A_16 : i32
    %ne3A = arith.cmpi ne, %sign3A_10, %sign3A_17 : i32
    %rem3A = arith.remsi %mul3A_4, %jit3A : i32
    %ne3A_18 = arith.constant 0 : i32
    %ne3A_19 = arith.cmpi ne, %rem3A, %ne3A_18 : i32
    %and3A = arith.andi %ne3A, %ne3A_19 : i1
    %sub3A = arith.constant 1 : i32
    %sub3A_20 = arith.subi %div3A, %sub3A : i32
    %select_n3A = arith.select %and3A, %sub3A_20, %div3A : i32
    %add3A_21 = arith.constant 1 : i32
    %add3A_22 = arith.addi %select_n3A, %add3A_21 : i32
    %mul3A_23 = arith.constant 192 : i32
    %mul3A_24 = arith.muli %add3A_22, %mul3A_23 : i32
    %mul3A_25 = arith.constant 256 : i32
    %mul3A_26 = arith.muli %select_n3A, %mul3A_25 : i32
    "tpu.region"() ({
      %run_scoped3A = tpu.sem_alloc : memref<!tpu.dma_semaphore, #tpu.memory_space<semaphore_mem>>
      %dma_start3A_75 = tpu.memref_slice %arg3[%mul3A_26] : memref<10240xi32, #tpu.memory_space<hbm>> -> memref<512xi32, #tpu.memory_space<hbm>>
      %dma_start3A_76 = tpu.memref_slice %arg3[%mul3A_26] : memref<10240xi32, #tpu.memory_space<hbm>> -> memref<512xi32, #tpu.memory_space<hbm>>
      tpu.enqueue_dma source(%dma_start3A_76 : memref<512xi32, #tpu.memory_space<hbm>>) target(%arg7 : memref<512xi32, #tpu.memory_space<vmem>>) target_semaphore(%run_scoped3A : memref<!tpu.dma_semaphore, #tpu.memory_space<semaphore_mem>>)
      %dma_wait3A_77 = tpu.memref_slice %arg3[%mul3A_26] : memref<10240xi32, #tpu.memory_space<hbm>> -> memref<512xi32, #tpu.memory_space<hbm>>
      %dma_wait3A_78 = tpu.memref_slice %arg3[%mul3A_26] : memref<10240xi32, #tpu.memory_space<hbm>> -> memref<512xi32, #tpu.memory_space<hbm>>
      tpu.wait_dma2 semaphore(%run_scoped3A : memref<!tpu.dma_semaphore, #tpu.memory_space<semaphore_mem>>) src(%dma_wait3A_78 : memref<512xi32, #tpu.memory_space<hbm>>) dst(%arg7 : memref<512xi32, #tpu.memory_space<vmem>>)
      tpu.yield
    }) : () -> ()
    %add3A_27 = arith.constant 0 : i32
    %add3A_28 = arith.addi %mul3A_2, %add3A_27 : i32
    %dma_start3A = arith.constant 0 : i32
    %dma_start3A_29 = arith.constant 0 : i32
    %dma_start3A_30 = arith.constant 0 : i32
    %dma_start3A_31 = tpu.memref_slice %arg5[%dma_start3A, %dma_start3A_29, %dma_start3A_30] : memref<2x24x1024xf32, #tpu.memory_space<vmem>> -> memref<1x24x1024xf32, #tpu.memory_space<vmem>>
    %dma_start3A_32 = tpu.memref_squeeze %dma_start3A_31 : memref<1x24x1024xf32, #tpu.memory_space<vmem>> -> memref<24x1024xf32, #tpu.memory_space<vmem>>
    %dma_start3A_33 = arith.constant 0 : i32
    %dma_start3A_34 = tpu.memref_slice %arg2[%add3A_28, %dma_start3A_33] : memref<12288x1024xf32, #tpu.memory_space<hbm>> -> memref<24x1024xf32, #tpu.memory_space<hbm>>
    %dma_start3A_35 = arith.constant 0 : i32
    %dma_start3A_36 = arith.constant 0 : i32
    %dma_start3A_37 = tpu.memref_slice %arg5[%dma_start3A, %dma_start3A_35, %dma_start3A_36] : memref<2x24x1024xf32, #tpu.memory_space<vmem>> -> memref<1x24x1024xf32, #tpu.memory_space<vmem>>
    %dma_start3A_38 = tpu.memref_squeeze %dma_start3A_37 : memref<1x24x1024xf32, #tpu.memory_space<vmem>> -> memref<24x1024xf32, #tpu.memory_space<vmem>>
    %dma_start3A_39 = arith.constant 0 : i32
    %dma_start3A_40 = tpu.memref_slice %arg2[%add3A_28, %dma_start3A_39] : memref<12288x1024xf32, #tpu.memory_space<hbm>> -> memref<24x1024xf32, #tpu.memory_space<hbm>>
    tpu.enqueue_dma source(%dma_start3A_40 : memref<24x1024xf32, #tpu.memory_space<hbm>>) target(%dma_start3A_38 : memref<24x1024xf32, #tpu.memory_space<vmem>>) target_semaphore(%arg8 : memref<!tpu.dma_semaphore, #tpu.memory_space<semaphore_mem>>)
    %scan3A = arith.constant 0 : i32
    %scan3A_41 = arith.constant 0 : i32
    %scan3A_42 = arith.constant 5 : i32
    %scan3A_43 = arith.addi %scan3A_41, %scan3A_42 : i32
    %scan3A_44 = arith.constant 1 : i32
    scf.for %scan3A_75 = %scan3A_41 to %scan3A_43 step %scan3A_44  : i32 {
      %mul3A_76 = arith.constant 2 : i32
      %mul3A_77 = arith.muli %mul3A_76, %scan3A_75 : i32
      %add3A_78 = arith.constant 0 : i32
      %add3A_79 = arith.addi %mul3A_77, %add3A_78 : i32
      %add3A_80 = arith.constant 1 : i32
      %add3A_81 = arith.addi %add3A_79, %add3A_80 : i32
      %lt3A = arith.constant 10 : i32
      %lt3A_82 = arith.cmpi slt, %add3A_81, %lt3A : i32
      %convert_element_type3A = arith.extui %lt3A_82 : i1 to i32
      %cond3A = arith.constant 0 : i32
      %cond3A_83 = arith.cmpi ne, %convert_element_type3A, %cond3A : i32
      scf.if %cond3A_83 {
        %add3A_322 = arith.constant 1 : i32
        %add3A_323 = arith.addi %add3A_79, %add3A_322 : i32
        %mul3A_324 = arith.constant 24 : i32
        %mul3A_325 = arith.muli %add3A_323, %mul3A_324 : i32
        %add3A_326 = arith.addi %mul3A_2, %mul3A_325 : i32
        %dma_start3A_327 = arith.constant 1 : i32
        %dma_start3A_328 = arith.constant 0 : i32
        %dma_start3A_329 = arith.constant 0 : i32
        %dma_start3A_330 = tpu.memref_slice %arg5[%dma_start3A_327, %dma_start3A_328, %dma_start3A_329] : memref<2x24x1024xf32, #tpu.memory_space<vmem>> -> memref<1x24x1024xf32, #tpu.memory_space<vmem>>
        %dma_start3A_331 = tpu.memref_squeeze %dma_start3A_330 : memref<1x24x1024xf32, #tpu.memory_space<vmem>> -> memref<24x1024xf32, #tpu.memory_space<vmem>>
        %dma_start3A_332 = arith.constant 0 : i32
        %dma_start3A_333 = tpu.memref_slice %arg2[%add3A_326, %dma_start3A_332] : memref<12288x1024xf32, #tpu.memory_space<hbm>> -> memref<24x1024xf32, #tpu.memory_space<hbm>>
        %dma_start3A_334 = arith.constant 0 : i32
        %dma_start3A_335 = arith.constant 0 : i32
        %dma_start3A_336 = tpu.memref_slice %arg5[%dma_start3A_327, %dma_start3A_334, %dma_start3A_335] : memref<2x24x1024xf32, #tpu.memory_space<vmem>> -> memref<1x24x1024xf32, #tpu.memory_space<vmem>>
        %dma_start3A_337 = tpu.memref_squeeze %dma_start3A_336 : memref<1x24x1024xf32, #tpu.memory_space<vmem>> -> memref<24x1024xf32, #tpu.memory_space<vmem>>
        %dma_start3A_338 = arith.constant 0 : i32
        %dma_start3A_339 = tpu.memref_slice %arg2[%add3A_326, %dma_start3A_338] : memref<12288x1024xf32, #tpu.memory_space<hbm>> -> memref<24x1024xf32, #tpu.memory_space<hbm>>
        tpu.enqueue_dma source(%dma_start3A_339 : memref<24x1024xf32, #tpu.memory_space<hbm>>) target(%dma_start3A_337 : memref<24x1024xf32, #tpu.memory_space<vmem>>) target_semaphore(%arg8 : memref<!tpu.dma_semaphore, #tpu.memory_space<semaphore_mem>>)
      } else {
      }
      %dma_wait3A_84 = arith.constant 0 : i32
      %dma_wait3A_85 = arith.constant 0 : i32
      %dma_wait3A_86 = arith.constant 0 : i32
      %dma_wait3A_87 = tpu.memref_slice %arg5[%dma_wait3A_84, %dma_wait3A_85, %dma_wait3A_86] : memref<2x24x1024xf32, #tpu.memory_space<vmem>> -> memref<1x24x1024xf32, #tpu.memory_space<vmem>>
      %dma_wait3A_88 = tpu.memref_squeeze %dma_wait3A_87 : memref<1x24x1024xf32, #tpu.memory_space<vmem>> -> memref<24x1024xf32, #tpu.memory_space<vmem>>
      %dma_wait3A_89 = arith.constant 0 : i32
      %dma_wait3A_90 = arith.constant 0 : i32
      %dma_wait3A_91 = tpu.memref_slice %arg2[%dma_wait3A_89, %dma_wait3A_90] : memref<12288x1024xf32, #tpu.memory_space<hbm>> -> memref<24x1024xf32, #tpu.memory_space<hbm>>
      %dma_wait3A_92 = arith.constant 0 : i32
      %dma_wait3A_93 = arith.constant 0 : i32
      %dma_wait3A_94 = tpu.memref_slice %arg5[%dma_wait3A_84, %dma_wait3A_92, %dma_wait3A_93] : memref<2x24x1024xf32, #tpu.memory_space<vmem>> -> memref<1x24x1024xf32, #tpu.memory_space<vmem>>
      %dma_wait3A_95 = tpu.memref_squeeze %dma_wait3A_94 : memref<1x24x1024xf32, #tpu.memory_space<vmem>> -> memref<24x1024xf32, #tpu.memory_space<vmem>>
      %dma_wait3A_96 = arith.constant 0 : i32
      %dma_wait3A_97 = arith.constant 0 : i32
      %dma_wait3A_98 = tpu.memref_slice %arg2[%dma_wait3A_96, %dma_wait3A_97] : memref<12288x1024xf32, #tpu.memory_space<hbm>> -> memref<24x1024xf32, #tpu.memory_space<hbm>>
      tpu.wait_dma2 semaphore(%arg8 : memref<!tpu.dma_semaphore, #tpu.memory_space<semaphore_mem>>) src(%dma_wait3A_98 : memref<24x1024xf32, #tpu.memory_space<hbm>>) dst(%dma_wait3A_95 : memref<24x1024xf32, #tpu.memory_space<vmem>>)
      %ge3A = arith.constant 2 : i32
      %ge3A_99 = arith.cmpi sge, %add3A_79, %ge3A : i32
      %convert_element_type3A_100 = arith.extui %ge3A_99 : i1 to i32
      %cond3A_101 = arith.constant 0 : i32
      %cond3A_102 = arith.cmpi ne, %convert_element_type3A_100, %cond3A_101 : i32
      scf.if %cond3A_102 {
        %dma_wait3A_322 = arith.constant 0 : i32
        %dma_wait3A_323 = arith.constant 0 : i32
        %dma_wait3A_324 = arith.constant 0 : i32
        %dma_wait3A_325 = tpu.memref_slice %arg6[%dma_wait3A_322, %dma_wait3A_323, %dma_wait3A_324] : memref<2x24x256xf32, #tpu.memory_space<vmem>> -> memref<1x24x256xf32, #tpu.memory_space<vmem>>
        %dma_wait3A_326 = tpu.memref_squeeze %dma_wait3A_325 : memref<1x24x256xf32, #tpu.memory_space<vmem>> -> memref<24x256xf32, #tpu.memory_space<vmem>>
        %dma_wait3A_327 = arith.constant 0 : i32
        %dma_wait3A_328 = arith.constant 0 : i32
        %dma_wait3A_329 = tpu.memref_slice %arg4[%dma_wait3A_327, %dma_wait3A_328] : memref<7680x256xf32, #tpu.memory_space<hbm>> -> memref<24x256xf32, #tpu.memory_space<hbm>>
        %dma_wait3A_330 = arith.constant 0 : i32
        %dma_wait3A_331 = arith.constant 0 : i32
        %dma_wait3A_332 = tpu.memref_slice %arg4[%dma_wait3A_330, %dma_wait3A_331] : memref<7680x256xf32, #tpu.memory_space<hbm>> -> memref<24x256xf32, #tpu.memory_space<hbm>>
        %dma_wait3A_333 = arith.constant 0 : i32
        %dma_wait3A_334 = arith.constant 0 : i32
        %dma_wait3A_335 = tpu.memref_slice %arg6[%dma_wait3A_322, %dma_wait3A_333, %dma_wait3A_334] : memref<2x24x256xf32, #tpu.memory_space<vmem>> -> memref<1x24x256xf32, #tpu.memory_space<vmem>>
        %dma_wait3A_336 = tpu.memref_squeeze %dma_wait3A_335 : memref<1x24x256xf32, #tpu.memory_space<vmem>> -> memref<24x256xf32, #tpu.memory_space<vmem>>
        tpu.wait_dma2 semaphore(%arg9 : memref<!tpu.dma_semaphore, #tpu.memory_space<semaphore_mem>>) src(%dma_wait3A_336 : memref<24x256xf32, #tpu.memory_space<vmem>>) dst(%dma_wait3A_332 : memref<24x256xf32, #tpu.memory_space<hbm>>)
      } else {
      }
      %mul3A_103 = arith.constant 24 : i32
      %mul3A_104 = arith.muli %add3A_79, %mul3A_103 : i32
      %add3A_105 = arith.addi %mul3A_2, %mul3A_104 : i32
      %ge3A_106 = arith.cmpi sge, %add3A_105, %mul3A_24 : i32
      %jit3A_107 = arith.constant 256 : i32
      %jit3A_108 = arith.constant 0 : i32
      %select_n3A_109 = arith.select %ge3A_106, %jit3A_107, %jit3A_108 : i32
      %add3A_110 = arith.constant 0 : i32
      %add3A_111 = arith.addi %select_n3A_109, %add3A_110 : i32
      %get3A = arith.index_cast %add3A_111 : i32 to index
      %get3A_112 = tpu.vector_load %arg7[%get3A] {strides = array<i32>} : memref<512xi32, #tpu.memory_space<vmem>>, vector<16xi32>,
      %add3A_113 = arith.constant 16 : i32
      %add3A_114 = arith.addi %select_n3A_109, %add3A_113 : i32
      %get3A_115 = arith.index_cast %add3A_114 : i32 to index
      %get3A_116 = tpu.vector_load %arg7[%get3A_115] {strides = array<i32>} : memref<512xi32, #tpu.memory_space<vmem>>, vector<16xi32>,
      %add3A_117 = arith.constant 32 : i32
      %add3A_118 = arith.addi %select_n3A_109, %add3A_117 : i32
      %get3A_119 = arith.index_cast %add3A_118 : i32 to index
      %get3A_120 = tpu.vector_load %arg7[%get3A_119] {strides = array<i32>} : memref<512xi32, #tpu.memory_space<vmem>>, vector<16xi32>,
      %add3A_121 = arith.constant 48 : i32
      %add3A_122 = arith.addi %select_n3A_109, %add3A_121 : i32
      %get3A_123 = arith.index_cast %add3A_122 : i32 to index
      %get3A_124 = tpu.vector_load %arg7[%get3A_123] {strides = array<i32>} : memref<512xi32, #tpu.memory_space<vmem>>, vector<16xi32>,
      %add3A_125 = arith.constant 64 : i32
      %add3A_126 = arith.addi %select_n3A_109, %add3A_125 : i32
      %get3A_127 = arith.index_cast %add3A_126 : i32 to index
      %get3A_128 = tpu.vector_load %arg7[%get3A_127] {strides = array<i32>} : memref<512xi32, #tpu.memory_space<vmem>>, vector<16xi32>,
      %add3A_129 = arith.constant 80 : i32
      %add3A_130 = arith.addi %select_n3A_109, %add3A_129 : i32
      %get3A_131 = arith.index_cast %add3A_130 : i32 to index
      %get3A_132 = tpu.vector_load %arg7[%get3A_131] {strides = array<i32>} : memref<512xi32, #tpu.memory_space<vmem>>, vector<16xi32>,
      %add3A_133 = arith.constant 96 : i32
      %add3A_134 = arith.addi %select_n3A_109, %add3A_133 : i32
      %get3A_135 = arith.index_cast %add3A_134 : i32 to index
      %get3A_136 = tpu.vector_load %arg7[%get3A_135] {strides = array<i32>} : memref<512xi32, #tpu.memory_space<vmem>>, vector<16xi32>,
      %add3A_137 = arith.constant 112 : i32
      %add3A_138 = arith.addi %select_n3A_109, %add3A_137 : i32
      %get3A_139 = arith.index_cast %add3A_138 : i32 to index
      %get3A_140 = tpu.vector_load %arg7[%get3A_139] {strides = array<i32>} : memref<512xi32, #tpu.memory_space<vmem>>, vector<16xi32>,
      %add3A_141 = arith.constant 128 : i32
      %add3A_142 = arith.addi %select_n3A_109, %add3A_141 : i32
      %get3A_143 = arith.index_cast %add3A_142 : i32 to index
      %get3A_144 = tpu.vector_load %arg7[%get3A_143] {strides = array<i32>} : memref<512xi32, #tpu.memory_space<vmem>>, vector<16xi32>,
      %add3A_145 = arith.constant 144 : i32
      %add3A_146 = arith.addi %select_n3A_109, %add3A_145 : i32
      %get3A_147 = arith.index_cast %add3A_146 : i32 to index
      %get3A_148 = tpu.vector_load %arg7[%get3A_147] {strides = array<i32>} : memref<512xi32, #tpu.memory_space<vmem>>, vector<16xi32>,
      %add3A_149 = arith.constant 160 : i32
      %add3A_150 = arith.addi %select_n3A_109, %add3A_149 : i32
      %get3A_151 = arith.index_cast %add3A_150 : i32 to index
      %get3A_152 = tpu.vector_load %arg7[%get3A_151] {strides = array<i32>} : memref<512xi32, #tpu.memory_space<vmem>>, vector<16xi32>,
      %add3A_153 = arith.constant 176 : i32
      %add3A_154 = arith.addi %select_n3A_109, %add3A_153 : i32
      %get3A_155 = arith.index_cast %add3A_154 : i32 to index
      %get3A_156 = tpu.vector_load %arg7[%get3A_155] {strides = array<i32>} : memref<512xi32, #tpu.memory_space<vmem>>, vector<16xi32>,
      %add3A_157 = arith.constant 192 : i32
      %add3A_158 = arith.addi %select_n3A_109, %add3A_157 : i32
      %get3A_159 = arith.index_cast %add3A_158 : i32 to index
      %get3A_160 = tpu.vector_load %arg7[%get3A_159] {strides = array<i32>} : memref<512xi32, #tpu.memory_space<vmem>>, vector<16xi32>,
      %add3A_161 = arith.constant 208 : i32
      %add3A_162 = arith.addi %select_n3A_109, %add3A_161 : i32
      %get3A_163 = arith.index_cast %add3A_162 : i32 to index
      %get3A_164 = tpu.vector_load %arg7[%get3A_163] {strides = array<i32>} : memref<512xi32, #tpu.memory_space<vmem>>, vector<16xi32>,
      %add3A_165 = arith.constant 224 : i32
      %add3A_166 = arith.addi %select_n3A_109, %add3A_165 : i32
      %get3A_167 = arith.index_cast %add3A_166 : i32 to index
      %get3A_168 = tpu.vector_load %arg7[%get3A_167] {strides = array<i32>} : memref<512xi32, #tpu.memory_space<vmem>>, vector<16xi32>,
      %add3A_169 = arith.constant 240 : i32
      %add3A_170 = arith.addi %select_n3A_109, %add3A_169 : i32
      %get3A_171 = arith.index_cast %add3A_170 : i32 to index
      %get3A_172 = tpu.vector_load %arg7[%get3A_171] {strides = array<i32>} : memref<512xi32, #tpu.memory_space<vmem>>, vector<16xi32>,
      %broadcast_in_dim3A = arith.constant 0 : i32
      %broadcast_in_dim3A_173 = vector.broadcast %broadcast_in_dim3A : i32 to vector<16xi32>
      %scan3A_174 = arith.constant 0 : i32
      %scan3A_175 = arith.constant 24 : i32
      %scan3A_176 = arith.addi %scan3A_174, %scan3A_175 : i32
      %scan3A_177 = arith.constant 1 : i32
      %scan3A_178 = scf.for %scan3A_322 = %scan3A_174 to %scan3A_176 step %scan3A_177 iter_args(%scan3A_323 = %broadcast_in_dim3A_173) -> (vector<16xi32>)  : i32 {
        %gather3A = arith.constant 0 : i32
        %gather3A_324 = arith.constant 0 : i32
        %gather3A_325 = arith.constant 0 : i32
        %gather3A_326 = tpu.memref_slice %arg5[%gather3A, %gather3A_324, %gather3A_325] : memref<2x24x1024xf32, #tpu.memory_space<vmem>> -> memref<1x24x1024xf32, #tpu.memory_space<vmem>>
        %gather3A_327 = tpu.memref_squeeze %gather3A_326 : memref<1x24x1024xf32, #tpu.memory_space<vmem>> -> memref<24x1024xf32, #tpu.memory_space<vmem>>
        %gather3A_328 = tpu.vector_load_idx %gather3A_327[%scan3A_323, %get3A_112] : memref<24x1024xf32, #tpu.memory_space<vmem>>[vector<16xi32>, vector<16xi32>], vector<16xf32>,
        %swap3A = arith.constant 0 : i32
        %swap3A_329 = arith.index_cast %swap3A : i32 to index
        %swap3A_330 = arith.index_cast %scan3A_322 : i32 to index
        %swap3A_331 = arith.constant 0 : index
        %swap3A_332 = tpu.vector_load %arg6[%swap3A_329, %swap3A_330, %swap3A_331] {strides = array<i32>} : memref<2x24x256xf32, #tpu.memory_space<vmem>>, vector<16xf32>,
        tpu.vector_store %arg6[%swap3A_329, %swap3A_330, %swap3A_331], %gather3A_328 {strides = array<i32>} : memref<2x24x256xf32, #tpu.memory_space<vmem>>, vector<16xf32>,
        %gather3A_333 = arith.constant 0 : i32
        %gather3A_334 = arith.constant 0 : i32
        %gather3A_335 = arith.constant 0 : i32
        %gather3A_336 = tpu.memref_slice %arg5[%gather3A_333, %gather3A_334, %gather3A_335] : memref<2x24x1024xf32, #tpu.memory_space<vmem>> -> memref<1x24x1024xf32, #tpu.memory_space<vmem>>
        %gather3A_337 = tpu.memref_squeeze %gather3A_336 : memref<1x24x1024xf32, #tpu.memory_space<vmem>> -> memref<24x1024xf32, #tpu.memory_space<vmem>>
        %gather3A_338 = tpu.vector_load_idx %gather3A_337[%scan3A_323, %get3A_116] : memref<24x1024xf32, #tpu.memory_space<vmem>>[vector<16xi32>, vector<16xi32>], vector<16xf32>,
        %swap3A_339 = arith.constant 0 : i32
        %swap3A_340 = arith.index_cast %swap3A_339 : i32 to index
        %swap3A_341 = arith.index_cast %scan3A_322 : i32 to index
        %swap3A_342 = arith.constant 16 : index
        %swap3A_343 = tpu.vector_load %arg6[%swap3A_340, %swap3A_341, %swap3A_342] {strides = array<i32>} : memref<2x24x256xf32, #tpu.memory_space<vmem>>, vector<16xf32>,
        tpu.vector_store %arg6[%swap3A_340, %swap3A_341, %swap3A_342], %gather3A_338 {strides = array<i32>} : memref<2x24x256xf32, #tpu.memory_space<vmem>>, vector<16xf32>,
        %gather3A_344 = arith.constant 0 : i32
        %gather3A_345 = arith.constant 0 : i32
        %gather3A_346 = arith.constant 0 : i32
        %gather3A_347 = tpu.memref_slice %arg5[%gather3A_344, %gather3A_345, %gather3A_346] : memref<2x24x1024xf32, #tpu.memory_space<vmem>> -> memref<1x24x1024xf32, #tpu.memory_space<vmem>>
        %gather3A_348 = tpu.memref_squeeze %gather3A_347 : memref<1x24x1024xf32, #tpu.memory_space<vmem>> -> memref<24x1024xf32, #tpu.memory_space<vmem>>
        %gather3A_349 = tpu.vector_load_idx %gather3A_348[%scan3A_323, %get3A_120] : memref<24x1024xf32, #tpu.memory_space<vmem>>[vector<16xi32>, vector<16xi32>], vector<16xf32>,
        %swap3A_350 = arith.constant 0 : i32
        %swap3A_351 = arith.index_cast %swap3A_350 : i32 to index
        %swap3A_352 = arith.index_cast %scan3A_322 : i32 to index
        %swap3A_353 = arith.constant 32 : index
        %swap3A_354 = tpu.vector_load %arg6[%swap3A_351, %swap3A_352, %swap3A_353] {strides = array<i32>} : memref<2x24x256xf32, #tpu.memory_space<vmem>>, vector<16xf32>,
        tpu.vector_store %arg6[%swap3A_351, %swap3A_352, %swap3A_353], %gather3A_349 {strides = array<i32>} : memref<2x24x256xf32, #tpu.memory_space<vmem>>, vector<16xf32>,
        %gather3A_355 = arith.constant 0 : i32
        %gather3A_356 = arith.constant 0 : i32
        %gather3A_357 = arith.constant 0 : i32
        %gather3A_358 = tpu.memref_slice %arg5[%gather3A_355, %gather3A_356, %gather3A_357] : memref<2x24x1024xf32, #tpu.memory_space<vmem>> -> memref<1x24x1024xf32, #tpu.memory_space<vmem>>
        %gather3A_359 = tpu.memref_squeeze %gather3A_358 : memref<1x24x1024xf32, #tpu.memory_space<vmem>> -> memref<24x1024xf32, #tpu.memory_space<vmem>>
        %gather3A_360 = tpu.vector_load_idx %gather3A_359[%scan3A_323, %get3A_124] : memref<24x1024xf32, #tpu.memory_space<vmem>>[vector<16xi32>, vector<16xi32>], vector<16xf32>,
        %swap3A_361 = arith.constant 0 : i32
        %swap3A_362 = arith.index_cast %swap3A_361 : i32 to index
        %swap3A_363 = arith.index_cast %scan3A_322 : i32 to index
        %swap3A_364 = arith.constant 48 : index
        %swap3A_365 = tpu.vector_load %arg6[%swap3A_362, %swap3A_363, %swap3A_364] {strides = array<i32>} : memref<2x24x256xf32, #tpu.memory_space<vmem>>, vector<16xf32>,
        tpu.vector_store %arg6[%swap3A_362, %swap3A_363, %swap3A_364], %gather3A_360 {strides = array<i32>} : memref<2x24x256xf32, #tpu.memory_space<vmem>>, vector<16xf32>,
        %gather3A_366 = arith.constant 0 : i32
        %gather3A_367 = arith.constant 0 : i32
        %gather3A_368 = arith.constant 0 : i32
        %gather3A_369 = tpu.memref_slice %arg5[%gather3A_366, %gather3A_367, %gather3A_368] : memref<2x24x1024xf32, #tpu.memory_space<vmem>> -> memref<1x24x1024xf32, #tpu.memory_space<vmem>>
        %gather3A_370 = tpu.memref_squeeze %gather3A_369 : memref<1x24x1024xf32, #tpu.memory_space<vmem>> -> memref<24x1024xf32, #tpu.memory_space<vmem>>
        %gather3A_371 = tpu.vector_load_idx %gather3A_370[%scan3A_323, %get3A_128] : memref<24x1024xf32, #tpu.memory_space<vmem>>[vector<16xi32>, vector<16xi32>], vector<16xf32>,
        %swap3A_372 = arith.constant 0 : i32
        %swap3A_373 = arith.index_cast %swap3A_372 : i32 to index
        %swap3A_374 = arith.index_cast %scan3A_322 : i32 to index
        %swap3A_375 = arith.constant 64 : index
        %swap3A_376 = tpu.vector_load %arg6[%swap3A_373, %swap3A_374, %swap3A_375] {strides = array<i32>} : memref<2x24x256xf32, #tpu.memory_space<vmem>>, vector<16xf32>,
        tpu.vector_store %arg6[%swap3A_373, %swap3A_374, %swap3A_375], %gather3A_371 {strides = array<i32>} : memref<2x24x256xf32, #tpu.memory_space<vmem>>, vector<16xf32>,
        %gather3A_377 = arith.constant 0 : i32
        %gather3A_378 = arith.constant 0 : i32
        %gather3A_379 = arith.constant 0 : i32
        %gather3A_380 = tpu.memref_slice %arg5[%gather3A_377, %gather3A_378, %gather3A_379] : memref<2x24x1024xf32, #tpu.memory_space<vmem>> -> memref<1x24x1024xf32, #tpu.memory_space<vmem>>
        %gather3A_381 = tpu.memref_squeeze %gather3A_380 : memref<1x24x1024xf32, #tpu.memory_space<vmem>> -> memref<24x1024xf32, #tpu.memory_space<vmem>>
        %gather3A_382 = tpu.vector_load_idx %gather3A_381[%scan3A_323, %get3A_132] : memref<24x1024xf32, #tpu.memory_space<vmem>>[vector<16xi32>, vector<16xi32>], vector<16xf32>,
        %swap3A_383 = arith.constant 0 : i32
        %swap3A_384 = arith.index_cast %swap3A_383 : i32 to index
        %swap3A_385 = arith.index_cast %scan3A_322 : i32 to index
        %swap3A_386 = arith.constant 80 : index
        %swap3A_387 = tpu.vector_load %arg6[%swap3A_384, %swap3A_385, %swap3A_386] {strides = array<i32>} : memref<2x24x256xf32, #tpu.memory_space<vmem>>, vector<16xf32>,
        tpu.vector_store %arg6[%swap3A_384, %swap3A_385, %swap3A_386], %gather3A_382 {strides = array<i32>} : memref<2x24x256xf32, #tpu.memory_space<vmem>>, vector<16xf32>,
        %gather3A_388 = arith.constant 0 : i32
        %gather3A_389 = arith.constant 0 : i32
        %gather3A_390 = arith.constant 0 : i32
        %gather3A_391 = tpu.memref_slice %arg5[%gather3A_388, %gather3A_389, %gather3A_390] : memref<2x24x1024xf32, #tpu.memory_space<vmem>> -> memref<1x24x1024xf32, #tpu.memory_space<vmem>>
        %gather3A_392 = tpu.memref_squeeze %gather3A_391 : memref<1x24x1024xf32, #tpu.memory_space<vmem>> -> memref<24x1024xf32, #tpu.memory_space<vmem>>
        %gather3A_393 = tpu.vector_load_idx %gather3A_392[%scan3A_323, %get3A_136] : memref<24x1024xf32, #tpu.memory_space<vmem>>[vector<16xi32>, vector<16xi32>], vector<16xf32>,
        %swap3A_394 = arith.constant 0 : i32
        %swap3A_395 = arith.index_cast %swap3A_394 : i32 to index
        %swap3A_396 = arith.index_cast %scan3A_322 : i32 to index
        %swap3A_397 = arith.constant 96 : index
        %swap3A_398 = tpu.vector_load %arg6[%swap3A_395, %swap3A_396, %swap3A_397] {strides = array<i32>} : memref<2x24x256xf32, #tpu.memory_space<vmem>>, vector<16xf32>,
        tpu.vector_store %arg6[%swap3A_395, %swap3A_396, %swap3A_397], %gather3A_393 {strides = array<i32>} : memref<2x24x256xf32, #tpu.memory_space<vmem>>, vector<16xf32>,
        %gather3A_399 = arith.constant 0 : i32
        %gather3A_400 = arith.constant 0 : i32
        %gather3A_401 = arith.constant 0 : i32
        %gather3A_402 = tpu.memref_slice %arg5[%gather3A_399, %gather3A_400, %gather3A_401] : memref<2x24x1024xf32, #tpu.memory_space<vmem>> -> memref<1x24x1024xf32, #tpu.memory_space<vmem>>
        %gather3A_403 = tpu.memref_squeeze %gather3A_402 : memref<1x24x1024xf32, #tpu.memory_space<vmem>> -> memref<24x1024xf32, #tpu.memory_space<vmem>>
        %gather3A_404 = tpu.vector_load_idx %gather3A_403[%scan3A_323, %get3A_140] : memref<24x1024xf32, #tpu.memory_space<vmem>>[vector<16xi32>, vector<16xi32>], vector<16xf32>,
        %swap3A_405 = arith.constant 0 : i32
        %swap3A_406 = arith.index_cast %swap3A_405 : i32 to index
        %swap3A_407 = arith.index_cast %scan3A_322 : i32 to index
        %swap3A_408 = arith.constant 112 : index
        %swap3A_409 = tpu.vector_load %arg6[%swap3A_406, %swap3A_407, %swap3A_408] {strides = array<i32>} : memref<2x24x256xf32, #tpu.memory_space<vmem>>, vector<16xf32>,
        tpu.vector_store %arg6[%swap3A_406, %swap3A_407, %swap3A_408], %gather3A_404 {strides = array<i32>} : memref<2x24x256xf32, #tpu.memory_space<vmem>>, vector<16xf32>,
        %gather3A_410 = arith.constant 0 : i32
        %gather3A_411 = arith.constant 0 : i32
        %gather3A_412 = arith.constant 0 : i32
        %gather3A_413 = tpu.memref_slice %arg5[%gather3A_410, %gather3A_411, %gather3A_412] : memref<2x24x1024xf32, #tpu.memory_space<vmem>> -> memref<1x24x1024xf32, #tpu.memory_space<vmem>>
        %gather3A_414 = tpu.memref_squeeze %gather3A_413 : memref<1x24x1024xf32, #tpu.memory_space<vmem>> -> memref<24x1024xf32, #tpu.memory_space<vmem>>
        %gather3A_415 = tpu.vector_load_idx %gather3A_414[%scan3A_323, %get3A_144] : memref<24x1024xf32, #tpu.memory_space<vmem>>[vector<16xi32>, vector<16xi32>], vector<16xf32>,
        %swap3A_416 = arith.constant 0 : i32
        %swap3A_417 = arith.index_cast %swap3A_416 : i32 to index
        %swap3A_418 = arith.index_cast %scan3A_322 : i32 to index
        %swap3A_419 = arith.constant 128 : index
        %swap3A_420 = tpu.vector_load %arg6[%swap3A_417, %swap3A_418, %swap3A_419] {strides = array<i32>} : memref<2x24x256xf32, #tpu.memory_space<vmem>>, vector<16xf32>,
        tpu.vector_store %arg6[%swap3A_417, %swap3A_418, %swap3A_419], %gather3A_415 {strides = array<i32>} : memref<2x24x256xf32, #tpu.memory_space<vmem>>, vector<16xf32>,
        %gather3A_421 = arith.constant 0 : i32
        %gather3A_422 = arith.constant 0 : i32
        %gather3A_423 = arith.constant 0 : i32
        %gather3A_424 = tpu.memref_slice %arg5[%gather3A_421, %gather3A_422, %gather3A_423] : memref<2x24x1024xf32, #tpu.memory_space<vmem>> -> memref<1x24x1024xf32, #tpu.memory_space<vmem>>
        %gather3A_425 = tpu.memref_squeeze %gather3A_424 : memref<1x24x1024xf32, #tpu.memory_space<vmem>> -> memref<24x1024xf32, #tpu.memory_space<vmem>>
        %gather3A_426 = tpu.vector_load_idx %gather3A_425[%scan3A_323, %get3A_148] : memref<24x1024xf32, #tpu.memory_space<vmem>>[vector<16xi32>, vector<16xi32>], vector<16xf32>,
        %swap3A_427 = arith.constant 0 : i32
        %swap3A_428 = arith.index_cast %swap3A_427 : i32 to index
        %swap3A_429 = arith.index_cast %scan3A_322 : i32 to index
        %swap3A_430 = arith.constant 144 : index
        %swap3A_431 = tpu.vector_load %arg6[%swap3A_428, %swap3A_429, %swap3A_430] {strides = array<i32>} : memref<2x24x256xf32, #tpu.memory_space<vmem>>, vector<16xf32>,
        tpu.vector_store %arg6[%swap3A_428, %swap3A_429, %swap3A_430], %gather3A_426 {strides = array<i32>} : memref<2x24x256xf32, #tpu.memory_space<vmem>>, vector<16xf32>,
        %gather3A_432 = arith.constant 0 : i32
        %gather3A_433 = arith.constant 0 : i32
        %gather3A_434 = arith.constant 0 : i32
        %gather3A_435 = tpu.memref_slice %arg5[%gather3A_432, %gather3A_433, %gather3A_434] : memref<2x24x1024xf32, #tpu.memory_space<vmem>> -> memref<1x24x1024xf32, #tpu.memory_space<vmem>>
        %gather3A_436 = tpu.memref_squeeze %gather3A_435 : memref<1x24x1024xf32, #tpu.memory_space<vmem>> -> memref<24x1024xf32, #tpu.memory_space<vmem>>
        %gather3A_437 = tpu.vector_load_idx %gather3A_436[%scan3A_323, %get3A_152] : memref<24x1024xf32, #tpu.memory_space<vmem>>[vector<16xi32>, vector<16xi32>], vector<16xf32>,
        %swap3A_438 = arith.constant 0 : i32
        %swap3A_439 = arith.index_cast %swap3A_438 : i32 to index
        %swap3A_440 = arith.index_cast %scan3A_322 : i32 to index
        %swap3A_441 = arith.constant 160 : index
        %swap3A_442 = tpu.vector_load %arg6[%swap3A_439, %swap3A_440, %swap3A_441] {strides = array<i32>} : memref<2x24x256xf32, #tpu.memory_space<vmem>>, vector<16xf32>,
        tpu.vector_store %arg6[%swap3A_439, %swap3A_440, %swap3A_441], %gather3A_437 {strides = array<i32>} : memref<2x24x256xf32, #tpu.memory_space<vmem>>, vector<16xf32>,
        %gather3A_443 = arith.constant 0 : i32
        %gather3A_444 = arith.constant 0 : i32
        %gather3A_445 = arith.constant 0 : i32
        %gather3A_446 = tpu.memref_slice %arg5[%gather3A_443, %gather3A_444, %gather3A_445] : memref<2x24x1024xf32, #tpu.memory_space<vmem>> -> memref<1x24x1024xf32, #tpu.memory_space<vmem>>
        %gather3A_447 = tpu.memref_squeeze %gather3A_446 : memref<1x24x1024xf32, #tpu.memory_space<vmem>> -> memref<24x1024xf32, #tpu.memory_space<vmem>>
        %gather3A_448 = tpu.vector_load_idx %gather3A_447[%scan3A_323, %get3A_156] : memref<24x1024xf32, #tpu.memory_space<vmem>>[vector<16xi32>, vector<16xi32>], vector<16xf32>,
        %swap3A_449 = arith.constant 0 : i32
        %swap3A_450 = arith.index_cast %swap3A_449 : i32 to index
        %swap3A_451 = arith.index_cast %scan3A_322 : i32 to index
        %swap3A_452 = arith.constant 176 : index
        %swap3A_453 = tpu.vector_load %arg6[%swap3A_450, %swap3A_451, %swap3A_452] {strides = array<i32>} : memref<2x24x256xf32, #tpu.memory_space<vmem>>, vector<16xf32>,
        tpu.vector_store %arg6[%swap3A_450, %swap3A_451, %swap3A_452], %gather3A_448 {strides = array<i32>} : memref<2x24x256xf32, #tpu.memory_space<vmem>>, vector<16xf32>,
        %gather3A_454 = arith.constant 0 : i32
        %gather3A_455 = arith.constant 0 : i32
        %gather3A_456 = arith.constant 0 : i32
        %gather3A_457 = tpu.memref_slice %arg5[%gather3A_454, %gather3A_455, %gather3A_456] : memref<2x24x1024xf32, #tpu.memory_space<vmem>> -> memref<1x24x1024xf32, #tpu.memory_space<vmem>>
        %gather3A_458 = tpu.memref_squeeze %gather3A_457 : memref<1x24x1024xf32, #tpu.memory_space<vmem>> -> memref<24x1024xf32, #tpu.memory_space<vmem>>
        %gather3A_459 = tpu.vector_load_idx %gather3A_458[%scan3A_323, %get3A_160] : memref<24x1024xf32, #tpu.memory_space<vmem>>[vector<16xi32>, vector<16xi32>], vector<16xf32>,
        %swap3A_460 = arith.constant 0 : i32
        %swap3A_461 = arith.index_cast %swap3A_460 : i32 to index
        %swap3A_462 = arith.index_cast %scan3A_322 : i32 to index
        %swap3A_463 = arith.constant 192 : index
        %swap3A_464 = tpu.vector_load %arg6[%swap3A_461, %swap3A_462, %swap3A_463] {strides = array<i32>} : memref<2x24x256xf32, #tpu.memory_space<vmem>>, vector<16xf32>,
        tpu.vector_store %arg6[%swap3A_461, %swap3A_462, %swap3A_463], %gather3A_459 {strides = array<i32>} : memref<2x24x256xf32, #tpu.memory_space<vmem>>, vector<16xf32>,
        %gather3A_465 = arith.constant 0 : i32
        %gather3A_466 = arith.constant 0 : i32
        %gather3A_467 = arith.constant 0 : i32
        %gather3A_468 = tpu.memref_slice %arg5[%gather3A_465, %gather3A_466, %gather3A_467] : memref<2x24x1024xf32, #tpu.memory_space<vmem>> -> memref<1x24x1024xf32, #tpu.memory_space<vmem>>
        %gather3A_469 = tpu.memref_squeeze %gather3A_468 : memref<1x24x1024xf32, #tpu.memory_space<vmem>> -> memref<24x1024xf32, #tpu.memory_space<vmem>>
        %gather3A_470 = tpu.vector_load_idx %gather3A_469[%scan3A_323, %get3A_164] : memref<24x1024xf32, #tpu.memory_space<vmem>>[vector<16xi32>, vector<16xi32>], vector<16xf32>,
        %swap3A_471 = arith.constant 0 : i32
        %swap3A_472 = arith.index_cast %swap3A_471 : i32 to index
        %swap3A_473 = arith.index_cast %scan3A_322 : i32 to index
        %swap3A_474 = arith.constant 208 : index
        %swap3A_475 = tpu.vector_load %arg6[%swap3A_472, %swap3A_473, %swap3A_474] {strides = array<i32>} : memref<2x24x256xf32, #tpu.memory_space<vmem>>, vector<16xf32>,
        tpu.vector_store %arg6[%swap3A_472, %swap3A_473, %swap3A_474], %gather3A_470 {strides = array<i32>} : memref<2x24x256xf32, #tpu.memory_space<vmem>>, vector<16xf32>,
        %gather3A_476 = arith.constant 0 : i32
        %gather3A_477 = arith.constant 0 : i32
        %gather3A_478 = arith.constant 0 : i32
        %gather3A_479 = tpu.memref_slice %arg5[%gather3A_476, %gather3A_477, %gather3A_478] : memref<2x24x1024xf32, #tpu.memory_space<vmem>> -> memref<1x24x1024xf32, #tpu.memory_space<vmem>>
        %gather3A_480 = tpu.memref_squeeze %gather3A_479 : memref<1x24x1024xf32, #tpu.memory_space<vmem>> -> memref<24x1024xf32, #tpu.memory_space<vmem>>
        %gather3A_481 = tpu.vector_load_idx %gather3A_480[%scan3A_323, %get3A_168] : memref<24x1024xf32, #tpu.memory_space<vmem>>[vector<16xi32>, vector<16xi32>], vector<16xf32>,
        %swap3A_482 = arith.constant 0 : i32
        %swap3A_483 = arith.index_cast %swap3A_482 : i32 to index
        %swap3A_484 = arith.index_cast %scan3A_322 : i32 to index
        %swap3A_485 = arith.constant 224 : index
        %swap3A_486 = tpu.vector_load %arg6[%swap3A_483, %swap3A_484, %swap3A_485] {strides = array<i32>} : memref<2x24x256xf32, #tpu.memory_space<vmem>>, vector<16xf32>,
        tpu.vector_store %arg6[%swap3A_483, %swap3A_484, %swap3A_485], %gather3A_481 {strides = array<i32>} : memref<2x24x256xf32, #tpu.memory_space<vmem>>, vector<16xf32>,
        %gather3A_487 = arith.constant 0 : i32
        %gather3A_488 = arith.constant 0 : i32
        %gather3A_489 = arith.constant 0 : i32
        %gather3A_490 = tpu.memref_slice %arg5[%gather3A_487, %gather3A_488, %gather3A_489] : memref<2x24x1024xf32, #tpu.memory_space<vmem>> -> memref<1x24x1024xf32, #tpu.memory_space<vmem>>
        %gather3A_491 = tpu.memref_squeeze %gather3A_490 : memref<1x24x1024xf32, #tpu.memory_space<vmem>> -> memref<24x1024xf32, #tpu.memory_space<vmem>>
        %gather3A_492 = tpu.vector_load_idx %gather3A_491[%scan3A_323, %get3A_172] : memref<24x1024xf32, #tpu.memory_space<vmem>>[vector<16xi32>, vector<16xi32>], vector<16xf32>,
        %swap3A_493 = arith.constant 0 : i32
        %swap3A_494 = arith.index_cast %swap3A_493 : i32 to index
        %swap3A_495 = arith.index_cast %scan3A_322 : i32 to index
        %swap3A_496 = arith.constant 240 : index
        %swap3A_497 = tpu.vector_load %arg6[%swap3A_494, %swap3A_495, %swap3A_496] {strides = array<i32>} : memref<2x24x256xf32, #tpu.memory_space<vmem>>, vector<16xf32>,
        tpu.vector_store %arg6[%swap3A_494, %swap3A_495, %swap3A_496], %gather3A_492 {strides = array<i32>} : memref<2x24x256xf32, #tpu.memory_space<vmem>>, vector<16xf32>,
        %add3A_498 = arith.constant 1 : i32
        %add3A_499 = vector.broadcast %add3A_498 : i32 to vector<16xi32>
        %add3A_500 = arith.addi %scan3A_323, %add3A_499 : vector<16xi32>
        scf.yield %add3A_500 : vector<16xi32>
      }
      %scan3A_179 = arith.constant 24 : i32
      %mul3A_180 = arith.constant 24 : i32
      %mul3A_181 = arith.muli %add3A_79, %mul3A_180 : i32
      %add3A_182 = arith.addi %mul3A_2, %mul3A_181 : i32
      %dma_start3A_183 = arith.constant 0 : i32
      %dma_start3A_184 = arith.constant 0 : i32
      %dma_start3A_185 = arith.constant 0 : i32
      %dma_start3A_186 = tpu.memref_slice %arg6[%dma_start3A_183, %dma_start3A_184, %dma_start3A_185] : memref<2x24x256xf32, #tpu.memory_space<vmem>> -> memref<1x24x256xf32, #tpu.memory_space<vmem>>
      %dma_start3A_187 = tpu.memref_squeeze %dma_start3A_186 : memref<1x24x256xf32, #tpu.memory_space<vmem>> -> memref<24x256xf32, #tpu.memory_space<vmem>>
      %dma_start3A_188 = arith.constant 0 : i32
      %dma_start3A_189 = tpu.memref_slice %arg4[%add3A_182, %dma_start3A_188] : memref<7680x256xf32, #tpu.memory_space<hbm>> -> memref<24x256xf32, #tpu.memory_space<hbm>>
      %dma_start3A_190 = arith.constant 0 : i32
      %dma_start3A_191 = tpu.memref_slice %arg4[%add3A_182, %dma_start3A_190] : memref<7680x256xf32, #tpu.memory_space<hbm>> -> memref<24x256xf32, #tpu.memory_space<hbm>>
      %dma_start3A_192 = arith.constant 0 : i32
      %dma_start3A_193 = arith.constant 0 : i32
      %dma_start3A_194 = tpu.memref_slice %arg6[%dma_start3A_183, %dma_start3A_192, %dma_start3A_193] : memref<2x24x256xf32, #tpu.memory_space<vmem>> -> memref<1x24x256xf32, #tpu.memory_space<vmem>>
      %dma_start3A_195 = tpu.memref_squeeze %dma_start3A_194 : memref<1x24x256xf32, #tpu.memory_space<vmem>> -> memref<24x256xf32, #tpu.memory_space<vmem>>
      tpu.enqueue_dma source(%dma_start3A_195 : memref<24x256xf32, #tpu.memory_space<vmem>>) target(%dma_start3A_191 : memref<24x256xf32, #tpu.memory_space<hbm>>) target_semaphore(%arg9 : memref<!tpu.dma_semaphore, #tpu.memory_space<semaphore_mem>>)
      %mul3A_196 = arith.constant 2 : i32
      %mul3A_197 = arith.muli %mul3A_196, %scan3A_75 : i32
      %add3A_198 = arith.constant 1 : i32
      %add3A_199 = arith.addi %mul3A_197, %add3A_198 : i32
      %add3A_200 = arith.constant 1 : i32
      %add3A_201 = arith.addi %add3A_199, %add3A_200 : i32
      %lt3A_202 = arith.constant 10 : i32
      %lt3A_203 = arith.cmpi slt, %add3A_201, %lt3A_202 : i32
      %convert_element_type3A_204 = arith.extui %lt3A_203 : i1 to i32
      %cond3A_205 = arith.constant 0 : i32
      %cond3A_206 = arith.cmpi ne, %convert_element_type3A_204, %cond3A_205 : i32
      scf.if %cond3A_206 {
        %add3A_322 = arith.constant 1 : i32
        %add3A_323 = arith.addi %add3A_199, %add3A_322 : i32
        %mul3A_324 = arith.constant 24 : i32
        %mul3A_325 = arith.muli %add3A_323, %mul3A_324 : i32
        %add3A_326 = arith.addi %mul3A_2, %mul3A_325 : i32
        %dma_start3A_327 = arith.constant 0 : i32
        %dma_start3A_328 = arith.constant 0 : i32
        %dma_start3A_329 = arith.constant 0 : i32
        %dma_start3A_330 = tpu.memref_slice %arg5[%dma_start3A_327, %dma_start3A_328, %dma_start3A_329] : memref<2x24x1024xf32, #tpu.memory_space<vmem>> -> memref<1x24x1024xf32, #tpu.memory_space<vmem>>
        %dma_start3A_331 = tpu.memref_squeeze %dma_start3A_330 : memref<1x24x1024xf32, #tpu.memory_space<vmem>> -> memref<24x1024xf32, #tpu.memory_space<vmem>>
        %dma_start3A_332 = arith.constant 0 : i32
        %dma_start3A_333 = tpu.memref_slice %arg2[%add3A_326, %dma_start3A_332] : memref<12288x1024xf32, #tpu.memory_space<hbm>> -> memref<24x1024xf32, #tpu.memory_space<hbm>>
        %dma_start3A_334 = arith.constant 0 : i32
        %dma_start3A_335 = arith.constant 0 : i32
        %dma_start3A_336 = tpu.memref_slice %arg5[%dma_start3A_327, %dma_start3A_334, %dma_start3A_335] : memref<2x24x1024xf32, #tpu.memory_space<vmem>> -> memref<1x24x1024xf32, #tpu.memory_space<vmem>>
        %dma_start3A_337 = tpu.memref_squeeze %dma_start3A_336 : memref<1x24x1024xf32, #tpu.memory_space<vmem>> -> memref<24x1024xf32, #tpu.memory_space<vmem>>
        %dma_start3A_338 = arith.constant 0 : i32
        %dma_start3A_339 = tpu.memref_slice %arg2[%add3A_326, %dma_start3A_338] : memref<12288x1024xf32, #tpu.memory_space<hbm>> -> memref<24x1024xf32, #tpu.memory_space<hbm>>
        tpu.enqueue_dma source(%dma_start3A_339 : memref<24x1024xf32, #tpu.memory_space<hbm>>) target(%dma_start3A_337 : memref<24x1024xf32, #tpu.memory_space<vmem>>) target_semaphore(%arg8 : memref<!tpu.dma_semaphore, #tpu.memory_space<semaphore_mem>>)
      } else {
      }
      %dma_wait3A_207 = arith.constant 1 : i32
      %dma_wait3A_208 = arith.constant 0 : i32
      %dma_wait3A_209 = arith.constant 0 : i32
      %dma_wait3A_210 = tpu.memref_slice %arg5[%dma_wait3A_207, %dma_wait3A_208, %dma_wait3A_209] : memref<2x24x1024xf32, #tpu.memory_space<vmem>> -> memref<1x24x1024xf32, #tpu.memory_space<vmem>>
      %dma_wait3A_211 = tpu.memref_squeeze %dma_wait3A_210 : memref<1x24x1024xf32, #tpu.memory_space<vmem>> -> memref<24x1024xf32, #tpu.memory_space<vmem>>
      %dma_wait3A_212 = arith.constant 0 : i32
      %dma_wait3A_213 = arith.constant 0 : i32
      %dma_wait3A_214 = tpu.memref_slice %arg2[%dma_wait3A_212, %dma_wait3A_213] : memref<12288x1024xf32, #tpu.memory_space<hbm>> -> memref<24x1024xf32, #tpu.memory_space<hbm>>
      %dma_wait3A_215 = arith.constant 0 : i32
      %dma_wait3A_216 = arith.constant 0 : i32
      %dma_wait3A_217 = tpu.memref_slice %arg5[%dma_wait3A_207, %dma_wait3A_215, %dma_wait3A_216] : memref<2x24x1024xf32, #tpu.memory_space<vmem>> -> memref<1x24x1024xf32, #tpu.memory_space<vmem>>
      %dma_wait3A_218 = tpu.memref_squeeze %dma_wait3A_217 : memref<1x24x1024xf32, #tpu.memory_space<vmem>> -> memref<24x1024xf32, #tpu.memory_space<vmem>>
      %dma_wait3A_219 = arith.constant 0 : i32
      %dma_wait3A_220 = arith.constant 0 : i32
      %dma_wait3A_221 = tpu.memref_slice %arg2[%dma_wait3A_219, %dma_wait3A_220] : memref<12288x1024xf32, #tpu.memory_space<hbm>> -> memref<24x1024xf32, #tpu.memory_space<hbm>>
      tpu.wait_dma2 semaphore(%arg8 : memref<!tpu.dma_semaphore, #tpu.memory_space<semaphore_mem>>) src(%dma_wait3A_221 : memref<24x1024xf32, #tpu.memory_space<hbm>>) dst(%dma_wait3A_218 : memref<24x1024xf32, #tpu.memory_space<vmem>>)
      %ge3A_222 = arith.constant 2 : i32
      %ge3A_223 = arith.cmpi sge, %add3A_199, %ge3A_222 : i32
      %convert_element_type3A_224 = arith.extui %ge3A_223 : i1 to i32
      %cond3A_225 = arith.constant 0 : i32
      %cond3A_226 = arith.cmpi ne, %convert_element_type3A_224, %cond3A_225 : i32
      scf.if %cond3A_226 {
        %dma_wait3A_322 = arith.constant 1 : i32
        %dma_wait3A_323 = arith.constant 0 : i32
        %dma_wait3A_324 = arith.constant 0 : i32
        %dma_wait3A_325 = tpu.memref_slice %arg6[%dma_wait3A_322, %dma_wait3A_323, %dma_wait3A_324] : memref<2x24x256xf32, #tpu.memory_space<vmem>> -> memref<1x24x256xf32, #tpu.memory_space<vmem>>
        %dma_wait3A_326 = tpu.memref_squeeze %dma_wait3A_325 : memref<1x24x256xf32, #tpu.memory_space<vmem>> -> memref<24x256xf32, #tpu.memory_space<vmem>>
        %dma_wait3A_327 = arith.constant 0 : i32
        %dma_wait3A_328 = arith.constant 0 : i32
        %dma_wait3A_329 = tpu.memref_slice %arg4[%dma_wait3A_327, %dma_wait3A_328] : memref<7680x256xf32, #tpu.memory_space<hbm>> -> memref<24x256xf32, #tpu.memory_space<hbm>>
        %dma_wait3A_330 = arith.constant 0 : i32
        %dma_wait3A_331 = arith.constant 0 : i32
        %dma_wait3A_332 = tpu.memref_slice %arg4[%dma_wait3A_330, %dma_wait3A_331] : memref<7680x256xf32, #tpu.memory_space<hbm>> -> memref<24x256xf32, #tpu.memory_space<hbm>>
        %dma_wait3A_333 = arith.constant 0 : i32
        %dma_wait3A_334 = arith.constant 0 : i32
        %dma_wait3A_335 = tpu.memref_slice %arg6[%dma_wait3A_322, %dma_wait3A_333, %dma_wait3A_334] : memref<2x24x256xf32, #tpu.memory_space<vmem>> -> memref<1x24x256xf32, #tpu.memory_space<vmem>>
        %dma_wait3A_336 = tpu.memref_squeeze %dma_wait3A_335 : memref<1x24x256xf32, #tpu.memory_space<vmem>> -> memref<24x256xf32, #tpu.memory_space<vmem>>
        tpu.wait_dma2 semaphore(%arg9 : memref<!tpu.dma_semaphore, #tpu.memory_space<semaphore_mem>>) src(%dma_wait3A_336 : memref<24x256xf32, #tpu.memory_space<vmem>>) dst(%dma_wait3A_332 : memref<24x256xf32, #tpu.memory_space<hbm>>)
      } else {
      }
      %mul3A_227 = arith.constant 24 : i32
      %mul3A_228 = arith.muli %add3A_199, %mul3A_227 : i32
      %add3A_229 = arith.addi %mul3A_2, %mul3A_228 : i32
      %ge3A_230 = arith.cmpi sge, %add3A_229, %mul3A_24 : i32
      %jit3A_231 = arith.constant 256 : i32
      %jit3A_232 = arith.constant 0 : i32
      %select_n3A_233 = arith.select %ge3A_230, %jit3A_231, %jit3A_232 : i32
      %add3A_234 = arith.constant 0 : i32
      %add3A_235 = arith.addi %select_n3A_233, %add3A_234 : i32
      %get3A_236 = arith.index_cast %add3A_235 : i32 to index
      %get3A_237 = tpu.vector_load %arg7[%get3A_236] {strides = array<i32>} : memref<512xi32, #tpu.memory_space<vmem>>, vector<16xi32>,
      %add3A_238 = arith.constant 16 : i32
      %add3A_239 = arith.addi %select_n3A_233, %add3A_238 : i32
      %get3A_240 = arith.index_cast %add3A_239 : i32 to index
      %get3A_241 = tpu.vector_load %arg7[%get3A_240] {strides = array<i32>} : memref<512xi32, #tpu.memory_space<vmem>>, vector<16xi32>,
      %add3A_242 = arith.constant 32 : i32
      %add3A_243 = arith.addi %select_n3A_233, %add3A_242 : i32
      %get3A_244 = arith.index_cast %add3A_243 : i32 to index
      %get3A_245 = tpu.vector_load %arg7[%get3A_244] {strides = array<i32>} : memref<512xi32, #tpu.memory_space<vmem>>, vector<16xi32>,
      %add3A_246 = arith.constant 48 : i32
      %add3A_247 = arith.addi %select_n3A_233, %add3A_246 : i32
      %get3A_248 = arith.index_cast %add3A_247 : i32 to index
      %get3A_249 = tpu.vector_load %arg7[%get3A_248] {strides = array<i32>} : memref<512xi32, #tpu.memory_space<vmem>>, vector<16xi32>,
      %add3A_250 = arith.constant 64 : i32
      %add3A_251 = arith.addi %select_n3A_233, %add3A_250 : i32
      %get3A_252 = arith.index_cast %add3A_251 : i32 to index
      %get3A_253 = tpu.vector_load %arg7[%get3A_252] {strides = array<i32>} : memref<512xi32, #tpu.memory_space<vmem>>, vector<16xi32>,
      %add3A_254 = arith.constant 80 : i32
      %add3A_255 = arith.addi %select_n3A_233, %add3A_254 : i32
      %get3A_256 = arith.index_cast %add3A_255 : i32 to index
      %get3A_257 = tpu.vector_load %arg7[%get3A_256] {strides = array<i32>} : memref<512xi32, #tpu.memory_space<vmem>>, vector<16xi32>,
      %add3A_258 = arith.constant 96 : i32
      %add3A_259 = arith.addi %select_n3A_233, %add3A_258 : i32
      %get3A_260 = arith.index_cast %add3A_259 : i32 to index
      %get3A_261 = tpu.vector_load %arg7[%get3A_260] {strides = array<i32>} : memref<512xi32, #tpu.memory_space<vmem>>, vector<16xi32>,
      %add3A_262 = arith.constant 112 : i32
      %add3A_263 = arith.addi %select_n3A_233, %add3A_262 : i32
      %get3A_264 = arith.index_cast %add3A_263 : i32 to index
      %get3A_265 = tpu.vector_load %arg7[%get3A_264] {strides = array<i32>} : memref<512xi32, #tpu.memory_space<vmem>>, vector<16xi32>,
      %add3A_266 = arith.constant 128 : i32
      %add3A_267 = arith.addi %select_n3A_233, %add3A_266 : i32
      %get3A_268 = arith.index_cast %add3A_267 : i32 to index
      %get3A_269 = tpu.vector_load %arg7[%get3A_268] {strides = array<i32>} : memref<512xi32, #tpu.memory_space<vmem>>, vector<16xi32>,
      %add3A_270 = arith.constant 144 : i32
      %add3A_271 = arith.addi %select_n3A_233, %add3A_270 : i32
      %get3A_272 = arith.index_cast %add3A_271 : i32 to index
      %get3A_273 = tpu.vector_load %arg7[%get3A_272] {strides = array<i32>} : memref<512xi32, #tpu.memory_space<vmem>>, vector<16xi32>,
      %add3A_274 = arith.constant 160 : i32
      %add3A_275 = arith.addi %select_n3A_233, %add3A_274 : i32
      %get3A_276 = arith.index_cast %add3A_275 : i32 to index
      %get3A_277 = tpu.vector_load %arg7[%get3A_276] {strides = array<i32>} : memref<512xi32, #tpu.memory_space<vmem>>, vector<16xi32>,
      %add3A_278 = arith.constant 176 : i32
      %add3A_279 = arith.addi %select_n3A_233, %add3A_278 : i32
      %get3A_280 = arith.index_cast %add3A_279 : i32 to index
      %get3A_281 = tpu.vector_load %arg7[%get3A_280] {strides = array<i32>} : memref<512xi32, #tpu.memory_space<vmem>>, vector<16xi32>,
      %add3A_282 = arith.constant 192 : i32
      %add3A_283 = arith.addi %select_n3A_233, %add3A_282 : i32
      %get3A_284 = arith.index_cast %add3A_283 : i32 to index
      %get3A_285 = tpu.vector_load %arg7[%get3A_284] {strides = array<i32>} : memref<512xi32, #tpu.memory_space<vmem>>, vector<16xi32>,
      %add3A_286 = arith.constant 208 : i32
      %add3A_287 = arith.addi %select_n3A_233, %add3A_286 : i32
      %get3A_288 = arith.index_cast %add3A_287 : i32 to index
      %get3A_289 = tpu.vector_load %arg7[%get3A_288] {strides = array<i32>} : memref<512xi32, #tpu.memory_space<vmem>>, vector<16xi32>,
      %add3A_290 = arith.constant 224 : i32
      %add3A_291 = arith.addi %select_n3A_233, %add3A_290 : i32
      %get3A_292 = arith.index_cast %add3A_291 : i32 to index
      %get3A_293 = tpu.vector_load %arg7[%get3A_292] {strides = array<i32>} : memref<512xi32, #tpu.memory_space<vmem>>, vector<16xi32>,
      %add3A_294 = arith.constant 240 : i32
      %add3A_295 = arith.addi %select_n3A_233, %add3A_294 : i32
      %get3A_296 = arith.index_cast %add3A_295 : i32 to index
      %get3A_297 = tpu.vector_load %arg7[%get3A_296] {strides = array<i32>} : memref<512xi32, #tpu.memory_space<vmem>>, vector<16xi32>,
      %broadcast_in_dim3A_298 = arith.constant 0 : i32
      %broadcast_in_dim3A_299 = vector.broadcast %broadcast_in_dim3A_298 : i32 to vector<16xi32>
      %scan3A_300 = arith.constant 0 : i32
      %scan3A_301 = arith.constant 24 : i32
      %scan3A_302 = arith.addi %scan3A_300, %scan3A_301 : i32
      %scan3A_303 = arith.constant 1 : i32
      %scan3A_304 = scf.for %scan3A_322 = %scan3A_300 to %scan3A_302 step %scan3A_303 iter_args(%scan3A_323 = %broadcast_in_dim3A_299) -> (vector<16xi32>)  : i32 {
        %gather3A = arith.constant 1 : i32
        %gather3A_324 = arith.constant 0 : i32
        %gather3A_325 = arith.constant 0 : i32
        %gather3A_326 = tpu.memref_slice %arg5[%gather3A, %gather3A_324, %gather3A_325] : memref<2x24x1024xf32, #tpu.memory_space<vmem>> -> memref<1x24x1024xf32, #tpu.memory_space<vmem>>
        %gather3A_327 = tpu.memref_squeeze %gather3A_326 : memref<1x24x1024xf32, #tpu.memory_space<vmem>> -> memref<24x1024xf32, #tpu.memory_space<vmem>>
        %gather3A_328 = tpu.vector_load_idx %gather3A_327[%scan3A_323, %get3A_237] : memref<24x1024xf32, #tpu.memory_space<vmem>>[vector<16xi32>, vector<16xi32>], vector<16xf32>,
        %swap3A = arith.constant 1 : i32
        %swap3A_329 = arith.index_cast %swap3A : i32 to index
        %swap3A_330 = arith.index_cast %scan3A_322 : i32 to index
        %swap3A_331 = arith.constant 0 : index
        %swap3A_332 = tpu.vector_load %arg6[%swap3A_329, %swap3A_330, %swap3A_331] {strides = array<i32>} : memref<2x24x256xf32, #tpu.memory_space<vmem>>, vector<16xf32>,
        tpu.vector_store %arg6[%swap3A_329, %swap3A_330, %swap3A_331], %gather3A_328 {strides = array<i32>} : memref<2x24x256xf32, #tpu.memory_space<vmem>>, vector<16xf32>,
        %gather3A_333 = arith.constant 1 : i32
        %gather3A_334 = arith.constant 0 : i32
        %gather3A_335 = arith.constant 0 : i32
        %gather3A_336 = tpu.memref_slice %arg5[%gather3A_333, %gather3A_334, %gather3A_335] : memref<2x24x1024xf32, #tpu.memory_space<vmem>> -> memref<1x24x1024xf32, #tpu.memory_space<vmem>>
        %gather3A_337 = tpu.memref_squeeze %gather3A_336 : memref<1x24x1024xf32, #tpu.memory_space<vmem>> -> memref<24x1024xf32, #tpu.memory_space<vmem>>
        %gather3A_338 = tpu.vector_load_idx %gather3A_337[%scan3A_323, %get3A_241] : memref<24x1024xf32, #tpu.memory_space<vmem>>[vector<16xi32>, vector<16xi32>], vector<16xf32>,
        %swap3A_339 = arith.constant 1 : i32
        %swap3A_340 = arith.index_cast %swap3A_339 : i32 to index
        %swap3A_341 = arith.index_cast %scan3A_322 : i32 to index
        %swap3A_342 = arith.constant 16 : index
        %swap3A_343 = tpu.vector_load %arg6[%swap3A_340, %swap3A_341, %swap3A_342] {strides = array<i32>} : memref<2x24x256xf32, #tpu.memory_space<vmem>>, vector<16xf32>,
        tpu.vector_store %arg6[%swap3A_340, %swap3A_341, %swap3A_342], %gather3A_338 {strides = array<i32>} : memref<2x24x256xf32, #tpu.memory_space<vmem>>, vector<16xf32>,
        %gather3A_344 = arith.constant 1 : i32
        %gather3A_345 = arith.constant 0 : i32
        %gather3A_346 = arith.constant 0 : i32
        %gather3A_347 = tpu.memref_slice %arg5[%gather3A_344, %gather3A_345, %gather3A_346] : memref<2x24x1024xf32, #tpu.memory_space<vmem>> -> memref<1x24x1024xf32, #tpu.memory_space<vmem>>
        %gather3A_348 = tpu.memref_squeeze %gather3A_347 : memref<1x24x1024xf32, #tpu.memory_space<vmem>> -> memref<24x1024xf32, #tpu.memory_space<vmem>>
        %gather3A_349 = tpu.vector_load_idx %gather3A_348[%scan3A_323, %get3A_245] : memref<24x1024xf32, #tpu.memory_space<vmem>>[vector<16xi32>, vector<16xi32>], vector<16xf32>,
        %swap3A_350 = arith.constant 1 : i32
        %swap3A_351 = arith.index_cast %swap3A_350 : i32 to index
        %swap3A_352 = arith.index_cast %scan3A_322 : i32 to index
        %swap3A_353 = arith.constant 32 : index
        %swap3A_354 = tpu.vector_load %arg6[%swap3A_351, %swap3A_352, %swap3A_353] {strides = array<i32>} : memref<2x24x256xf32, #tpu.memory_space<vmem>>, vector<16xf32>,
        tpu.vector_store %arg6[%swap3A_351, %swap3A_352, %swap3A_353], %gather3A_349 {strides = array<i32>} : memref<2x24x256xf32, #tpu.memory_space<vmem>>, vector<16xf32>,
        %gather3A_355 = arith.constant 1 : i32
        %gather3A_356 = arith.constant 0 : i32
        %gather3A_357 = arith.constant 0 : i32
        %gather3A_358 = tpu.memref_slice %arg5[%gather3A_355, %gather3A_356, %gather3A_357] : memref<2x24x1024xf32, #tpu.memory_space<vmem>> -> memref<1x24x1024xf32, #tpu.memory_space<vmem>>
        %gather3A_359 = tpu.memref_squeeze %gather3A_358 : memref<1x24x1024xf32, #tpu.memory_space<vmem>> -> memref<24x1024xf32, #tpu.memory_space<vmem>>
        %gather3A_360 = tpu.vector_load_idx %gather3A_359[%scan3A_323, %get3A_249] : memref<24x1024xf32, #tpu.memory_space<vmem>>[vector<16xi32>, vector<16xi32>], vector<16xf32>,
        %swap3A_361 = arith.constant 1 : i32
        %swap3A_362 = arith.index_cast %swap3A_361 : i32 to index
        %swap3A_363 = arith.index_cast %scan3A_322 : i32 to index
        %swap3A_364 = arith.constant 48 : index
        %swap3A_365 = tpu.vector_load %arg6[%swap3A_362, %swap3A_363, %swap3A_364] {strides = array<i32>} : memref<2x24x256xf32, #tpu.memory_space<vmem>>, vector<16xf32>,
        tpu.vector_store %arg6[%swap3A_362, %swap3A_363, %swap3A_364], %gather3A_360 {strides = array<i32>} : memref<2x24x256xf32, #tpu.memory_space<vmem>>, vector<16xf32>,
        %gather3A_366 = arith.constant 1 : i32
        %gather3A_367 = arith.constant 0 : i32
        %gather3A_368 = arith.constant 0 : i32
        %gather3A_369 = tpu.memref_slice %arg5[%gather3A_366, %gather3A_367, %gather3A_368] : memref<2x24x1024xf32, #tpu.memory_space<vmem>> -> memref<1x24x1024xf32, #tpu.memory_space<vmem>>
        %gather3A_370 = tpu.memref_squeeze %gather3A_369 : memref<1x24x1024xf32, #tpu.memory_space<vmem>> -> memref<24x1024xf32, #tpu.memory_space<vmem>>
        %gather3A_371 = tpu.vector_load_idx %gather3A_370[%scan3A_323, %get3A_253] : memref<24x1024xf32, #tpu.memory_space<vmem>>[vector<16xi32>, vector<16xi32>], vector<16xf32>,
        %swap3A_372 = arith.constant 1 : i32
        %swap3A_373 = arith.index_cast %swap3A_372 : i32 to index
        %swap3A_374 = arith.index_cast %scan3A_322 : i32 to index
        %swap3A_375 = arith.constant 64 : index
        %swap3A_376 = tpu.vector_load %arg6[%swap3A_373, %swap3A_374, %swap3A_375] {strides = array<i32>} : memref<2x24x256xf32, #tpu.memory_space<vmem>>, vector<16xf32>,
        tpu.vector_store %arg6[%swap3A_373, %swap3A_374, %swap3A_375], %gather3A_371 {strides = array<i32>} : memref<2x24x256xf32, #tpu.memory_space<vmem>>, vector<16xf32>,
        %gather3A_377 = arith.constant 1 : i32
        %gather3A_378 = arith.constant 0 : i32
        %gather3A_379 = arith.constant 0 : i32
        %gather3A_380 = tpu.memref_slice %arg5[%gather3A_377, %gather3A_378, %gather3A_379] : memref<2x24x1024xf32, #tpu.memory_space<vmem>> -> memref<1x24x1024xf32, #tpu.memory_space<vmem>>
        %gather3A_381 = tpu.memref_squeeze %gather3A_380 : memref<1x24x1024xf32, #tpu.memory_space<vmem>> -> memref<24x1024xf32, #tpu.memory_space<vmem>>
        %gather3A_382 = tpu.vector_load_idx %gather3A_381[%scan3A_323, %get3A_257] : memref<24x1024xf32, #tpu.memory_space<vmem>>[vector<16xi32>, vector<16xi32>], vector<16xf32>,
        %swap3A_383 = arith.constant 1 : i32
        %swap3A_384 = arith.index_cast %swap3A_383 : i32 to index
        %swap3A_385 = arith.index_cast %scan3A_322 : i32 to index
        %swap3A_386 = arith.constant 80 : index
        %swap3A_387 = tpu.vector_load %arg6[%swap3A_384, %swap3A_385, %swap3A_386] {strides = array<i32>} : memref<2x24x256xf32, #tpu.memory_space<vmem>>, vector<16xf32>,
        tpu.vector_store %arg6[%swap3A_384, %swap3A_385, %swap3A_386], %gather3A_382 {strides = array<i32>} : memref<2x24x256xf32, #tpu.memory_space<vmem>>, vector<16xf32>,
        %gather3A_388 = arith.constant 1 : i32
        %gather3A_389 = arith.constant 0 : i32
        %gather3A_390 = arith.constant 0 : i32
        %gather3A_391 = tpu.memref_slice %arg5[%gather3A_388, %gather3A_389, %gather3A_390] : memref<2x24x1024xf32, #tpu.memory_space<vmem>> -> memref<1x24x1024xf32, #tpu.memory_space<vmem>>
        %gather3A_392 = tpu.memref_squeeze %gather3A_391 : memref<1x24x1024xf32, #tpu.memory_space<vmem>> -> memref<24x1024xf32, #tpu.memory_space<vmem>>
        %gather3A_393 = tpu.vector_load_idx %gather3A_392[%scan3A_323, %get3A_261] : memref<24x1024xf32, #tpu.memory_space<vmem>>[vector<16xi32>, vector<16xi32>], vector<16xf32>,
        %swap3A_394 = arith.constant 1 : i32
        %swap3A_395 = arith.index_cast %swap3A_394 : i32 to index
        %swap3A_396 = arith.index_cast %scan3A_322 : i32 to index
        %swap3A_397 = arith.constant 96 : index
        %swap3A_398 = tpu.vector_load %arg6[%swap3A_395, %swap3A_396, %swap3A_397] {strides = array<i32>} : memref<2x24x256xf32, #tpu.memory_space<vmem>>, vector<16xf32>,
        tpu.vector_store %arg6[%swap3A_395, %swap3A_396, %swap3A_397], %gather3A_393 {strides = array<i32>} : memref<2x24x256xf32, #tpu.memory_space<vmem>>, vector<16xf32>,
        %gather3A_399 = arith.constant 1 : i32
        %gather3A_400 = arith.constant 0 : i32
        %gather3A_401 = arith.constant 0 : i32
        %gather3A_402 = tpu.memref_slice %arg5[%gather3A_399, %gather3A_400, %gather3A_401] : memref<2x24x1024xf32, #tpu.memory_space<vmem>> -> memref<1x24x1024xf32, #tpu.memory_space<vmem>>
        %gather3A_403 = tpu.memref_squeeze %gather3A_402 : memref<1x24x1024xf32, #tpu.memory_space<vmem>> -> memref<24x1024xf32, #tpu.memory_space<vmem>>
        %gather3A_404 = tpu.vector_load_idx %gather3A_403[%scan3A_323, %get3A_265] : memref<24x1024xf32, #tpu.memory_space<vmem>>[vector<16xi32>, vector<16xi32>], vector<16xf32>,
        %swap3A_405 = arith.constant 1 : i32
        %swap3A_406 = arith.index_cast %swap3A_405 : i32 to index
        %swap3A_407 = arith.index_cast %scan3A_322 : i32 to index
        %swap3A_408 = arith.constant 112 : index
        %swap3A_409 = tpu.vector_load %arg6[%swap3A_406, %swap3A_407, %swap3A_408] {strides = array<i32>} : memref<2x24x256xf32, #tpu.memory_space<vmem>>, vector<16xf32>,
        tpu.vector_store %arg6[%swap3A_406, %swap3A_407, %swap3A_408], %gather3A_404 {strides = array<i32>} : memref<2x24x256xf32, #tpu.memory_space<vmem>>, vector<16xf32>,
        %gather3A_410 = arith.constant 1 : i32
        %gather3A_411 = arith.constant 0 : i32
        %gather3A_412 = arith.constant 0 : i32
        %gather3A_413 = tpu.memref_slice %arg5[%gather3A_410, %gather3A_411, %gather3A_412] : memref<2x24x1024xf32, #tpu.memory_space<vmem>> -> memref<1x24x1024xf32, #tpu.memory_space<vmem>>
        %gather3A_414 = tpu.memref_squeeze %gather3A_413 : memref<1x24x1024xf32, #tpu.memory_space<vmem>> -> memref<24x1024xf32, #tpu.memory_space<vmem>>
        %gather3A_415 = tpu.vector_load_idx %gather3A_414[%scan3A_323, %get3A_269] : memref<24x1024xf32, #tpu.memory_space<vmem>>[vector<16xi32>, vector<16xi32>], vector<16xf32>,
        %swap3A_416 = arith.constant 1 : i32
        %swap3A_417 = arith.index_cast %swap3A_416 : i32 to index
        %swap3A_418 = arith.index_cast %scan3A_322 : i32 to index
        %swap3A_419 = arith.constant 128 : index
        %swap3A_420 = tpu.vector_load %arg6[%swap3A_417, %swap3A_418, %swap3A_419] {strides = array<i32>} : memref<2x24x256xf32, #tpu.memory_space<vmem>>, vector<16xf32>,
        tpu.vector_store %arg6[%swap3A_417, %swap3A_418, %swap3A_419], %gather3A_415 {strides = array<i32>} : memref<2x24x256xf32, #tpu.memory_space<vmem>>, vector<16xf32>,
        %gather3A_421 = arith.constant 1 : i32
        %gather3A_422 = arith.constant 0 : i32
        %gather3A_423 = arith.constant 0 : i32
        %gather3A_424 = tpu.memref_slice %arg5[%gather3A_421, %gather3A_422, %gather3A_423] : memref<2x24x1024xf32, #tpu.memory_space<vmem>> -> memref<1x24x1024xf32, #tpu.memory_space<vmem>>
        %gather3A_425 = tpu.memref_squeeze %gather3A_424 : memref<1x24x1024xf32, #tpu.memory_space<vmem>> -> memref<24x1024xf32, #tpu.memory_space<vmem>>
        %gather3A_426 = tpu.vector_load_idx %gather3A_425[%scan3A_323, %get3A_273] : memref<24x1024xf32, #tpu.memory_space<vmem>>[vector<16xi32>, vector<16xi32>], vector<16xf32>,
        %swap3A_427 = arith.constant 1 : i32
        %swap3A_428 = arith.index_cast %swap3A_427 : i32 to index
        %swap3A_429 = arith.index_cast %scan3A_322 : i32 to index
        %swap3A_430 = arith.constant 144 : index
        %swap3A_431 = tpu.vector_load %arg6[%swap3A_428, %swap3A_429, %swap3A_430] {strides = array<i32>} : memref<2x24x256xf32, #tpu.memory_space<vmem>>, vector<16xf32>,
        tpu.vector_store %arg6[%swap3A_428, %swap3A_429, %swap3A_430], %gather3A_426 {strides = array<i32>} : memref<2x24x256xf32, #tpu.memory_space<vmem>>, vector<16xf32>,
        %gather3A_432 = arith.constant 1 : i32
        %gather3A_433 = arith.constant 0 : i32
        %gather3A_434 = arith.constant 0 : i32
        %gather3A_435 = tpu.memref_slice %arg5[%gather3A_432, %gather3A_433, %gather3A_434] : memref<2x24x1024xf32, #tpu.memory_space<vmem>> -> memref<1x24x1024xf32, #tpu.memory_space<vmem>>
        %gather3A_436 = tpu.memref_squeeze %gather3A_435 : memref<1x24x1024xf32, #tpu.memory_space<vmem>> -> memref<24x1024xf32, #tpu.memory_space<vmem>>
        %gather3A_437 = tpu.vector_load_idx %gather3A_436[%scan3A_323, %get3A_277] : memref<24x1024xf32, #tpu.memory_space<vmem>>[vector<16xi32>, vector<16xi32>], vector<16xf32>,
        %swap3A_438 = arith.constant 1 : i32
        %swap3A_439 = arith.index_cast %swap3A_438 : i32 to index
        %swap3A_440 = arith.index_cast %scan3A_322 : i32 to index
        %swap3A_441 = arith.constant 160 : index
        %swap3A_442 = tpu.vector_load %arg6[%swap3A_439, %swap3A_440, %swap3A_441] {strides = array<i32>} : memref<2x24x256xf32, #tpu.memory_space<vmem>>, vector<16xf32>,
        tpu.vector_store %arg6[%swap3A_439, %swap3A_440, %swap3A_441], %gather3A_437 {strides = array<i32>} : memref<2x24x256xf32, #tpu.memory_space<vmem>>, vector<16xf32>,
        %gather3A_443 = arith.constant 1 : i32
        %gather3A_444 = arith.constant 0 : i32
        %gather3A_445 = arith.constant 0 : i32
        %gather3A_446 = tpu.memref_slice %arg5[%gather3A_443, %gather3A_444, %gather3A_445] : memref<2x24x1024xf32, #tpu.memory_space<vmem>> -> memref<1x24x1024xf32, #tpu.memory_space<vmem>>
        %gather3A_447 = tpu.memref_squeeze %gather3A_446 : memref<1x24x1024xf32, #tpu.memory_space<vmem>> -> memref<24x1024xf32, #tpu.memory_space<vmem>>
        %gather3A_448 = tpu.vector_load_idx %gather3A_447[%scan3A_323, %get3A_281] : memref<24x1024xf32, #tpu.memory_space<vmem>>[vector<16xi32>, vector<16xi32>], vector<16xf32>,
        %swap3A_449 = arith.constant 1 : i32
        %swap3A_450 = arith.index_cast %swap3A_449 : i32 to index
        %swap3A_451 = arith.index_cast %scan3A_322 : i32 to index
        %swap3A_452 = arith.constant 176 : index
        %swap3A_453 = tpu.vector_load %arg6[%swap3A_450, %swap3A_451, %swap3A_452] {strides = array<i32>} : memref<2x24x256xf32, #tpu.memory_space<vmem>>, vector<16xf32>,
        tpu.vector_store %arg6[%swap3A_450, %swap3A_451, %swap3A_452], %gather3A_448 {strides = array<i32>} : memref<2x24x256xf32, #tpu.memory_space<vmem>>, vector<16xf32>,
        %gather3A_454 = arith.constant 1 : i32
        %gather3A_455 = arith.constant 0 : i32
        %gather3A_456 = arith.constant 0 : i32
        %gather3A_457 = tpu.memref_slice %arg5[%gather3A_454, %gather3A_455, %gather3A_456] : memref<2x24x1024xf32, #tpu.memory_space<vmem>> -> memref<1x24x1024xf32, #tpu.memory_space<vmem>>
        %gather3A_458 = tpu.memref_squeeze %gather3A_457 : memref<1x24x1024xf32, #tpu.memory_space<vmem>> -> memref<24x1024xf32, #tpu.memory_space<vmem>>
        %gather3A_459 = tpu.vector_load_idx %gather3A_458[%scan3A_323, %get3A_285] : memref<24x1024xf32, #tpu.memory_space<vmem>>[vector<16xi32>, vector<16xi32>], vector<16xf32>,
        %swap3A_460 = arith.constant 1 : i32
        %swap3A_461 = arith.index_cast %swap3A_460 : i32 to index
        %swap3A_462 = arith.index_cast %scan3A_322 : i32 to index
        %swap3A_463 = arith.constant 192 : index
        %swap3A_464 = tpu.vector_load %arg6[%swap3A_461, %swap3A_462, %swap3A_463] {strides = array<i32>} : memref<2x24x256xf32, #tpu.memory_space<vmem>>, vector<16xf32>,
        tpu.vector_store %arg6[%swap3A_461, %swap3A_462, %swap3A_463], %gather3A_459 {strides = array<i32>} : memref<2x24x256xf32, #tpu.memory_space<vmem>>, vector<16xf32>,
        %gather3A_465 = arith.constant 1 : i32
        %gather3A_466 = arith.constant 0 : i32
        %gather3A_467 = arith.constant 0 : i32
        %gather3A_468 = tpu.memref_slice %arg5[%gather3A_465, %gather3A_466, %gather3A_467] : memref<2x24x1024xf32, #tpu.memory_space<vmem>> -> memref<1x24x1024xf32, #tpu.memory_space<vmem>>
        %gather3A_469 = tpu.memref_squeeze %gather3A_468 : memref<1x24x1024xf32, #tpu.memory_space<vmem>> -> memref<24x1024xf32, #tpu.memory_space<vmem>>
        %gather3A_470 = tpu.vector_load_idx %gather3A_469[%scan3A_323, %get3A_289] : memref<24x1024xf32, #tpu.memory_space<vmem>>[vector<16xi32>, vector<16xi32>], vector<16xf32>,
        %swap3A_471 = arith.constant 1 : i32
        %swap3A_472 = arith.index_cast %swap3A_471 : i32 to index
        %swap3A_473 = arith.index_cast %scan3A_322 : i32 to index
        %swap3A_474 = arith.constant 208 : index
        %swap3A_475 = tpu.vector_load %arg6[%swap3A_472, %swap3A_473, %swap3A_474] {strides = array<i32>} : memref<2x24x256xf32, #tpu.memory_space<vmem>>, vector<16xf32>,
        tpu.vector_store %arg6[%swap3A_472, %swap3A_473, %swap3A_474], %gather3A_470 {strides = array<i32>} : memref<2x24x256xf32, #tpu.memory_space<vmem>>, vector<16xf32>,
        %gather3A_476 = arith.constant 1 : i32
        %gather3A_477 = arith.constant 0 : i32
        %gather3A_478 = arith.constant 0 : i32
        %gather3A_479 = tpu.memref_slice %arg5[%gather3A_476, %gather3A_477, %gather3A_478] : memref<2x24x1024xf32, #tpu.memory_space<vmem>> -> memref<1x24x1024xf32, #tpu.memory_space<vmem>>
        %gather3A_480 = tpu.memref_squeeze %gather3A_479 : memref<1x24x1024xf32, #tpu.memory_space<vmem>> -> memref<24x1024xf32, #tpu.memory_space<vmem>>
        %gather3A_481 = tpu.vector_load_idx %gather3A_480[%scan3A_323, %get3A_293] : memref<24x1024xf32, #tpu.memory_space<vmem>>[vector<16xi32>, vector<16xi32>], vector<16xf32>,
        %swap3A_482 = arith.constant 1 : i32
        %swap3A_483 = arith.index_cast %swap3A_482 : i32 to index
        %swap3A_484 = arith.index_cast %scan3A_322 : i32 to index
        %swap3A_485 = arith.constant 224 : index
        %swap3A_486 = tpu.vector_load %arg6[%swap3A_483, %swap3A_484, %swap3A_485] {strides = array<i32>} : memref<2x24x256xf32, #tpu.memory_space<vmem>>, vector<16xf32>,
        tpu.vector_store %arg6[%swap3A_483, %swap3A_484, %swap3A_485], %gather3A_481 {strides = array<i32>} : memref<2x24x256xf32, #tpu.memory_space<vmem>>, vector<16xf32>,
        %gather3A_487 = arith.constant 1 : i32
        %gather3A_488 = arith.constant 0 : i32
        %gather3A_489 = arith.constant 0 : i32
        %gather3A_490 = tpu.memref_slice %arg5[%gather3A_487, %gather3A_488, %gather3A_489] : memref<2x24x1024xf32, #tpu.memory_space<vmem>> -> memref<1x24x1024xf32, #tpu.memory_space<vmem>>
        %gather3A_491 = tpu.memref_squeeze %gather3A_490 : memref<1x24x1024xf32, #tpu.memory_space<vmem>> -> memref<24x1024xf32, #tpu.memory_space<vmem>>
        %gather3A_492 = tpu.vector_load_idx %gather3A_491[%scan3A_323, %get3A_297] : memref<24x1024xf32, #tpu.memory_space<vmem>>[vector<16xi32>, vector<16xi32>], vector<16xf32>,
        %swap3A_493 = arith.constant 1 : i32
        %swap3A_494 = arith.index_cast %swap3A_493 : i32 to index
        %swap3A_495 = arith.index_cast %scan3A_322 : i32 to index
        %swap3A_496 = arith.constant 240 : index
        %swap3A_497 = tpu.vector_load %arg6[%swap3A_494, %swap3A_495, %swap3A_496] {strides = array<i32>} : memref<2x24x256xf32, #tpu.memory_space<vmem>>, vector<16xf32>,
        tpu.vector_store %arg6[%swap3A_494, %swap3A_495, %swap3A_496], %gather3A_492 {strides = array<i32>} : memref<2x24x256xf32, #tpu.memory_space<vmem>>, vector<16xf32>,
        %add3A_498 = arith.constant 1 : i32
        %add3A_499 = vector.broadcast %add3A_498 : i32 to vector<16xi32>
        %add3A_500 = arith.addi %scan3A_323, %add3A_499 : vector<16xi32>
        scf.yield %add3A_500 : vector<16xi32>
      }
      %scan3A_305 = arith.constant 24 : i32
      %mul3A_306 = arith.constant 24 : i32
      %mul3A_307 = arith.muli %add3A_199, %mul3A_306 : i32
      %add3A_308 = arith.addi %mul3A_2, %mul3A_307 : i32
      %dma_start3A_309 = arith.constant 1 : i32
      %dma_start3A_310 = arith.constant 0 : i32
      %dma_start3A_311 = arith.constant 0 : i32
      %dma_start3A_312 = tpu.memref_slice %arg6[%dma_start3A_309, %dma_start3A_310, %dma_start3A_311] : memref<2x24x256xf32, #tpu.memory_space<vmem>> -> memref<1x24x256xf32, #tpu.memory_space<vmem>>
      %dma_start3A_313 = tpu.memref_squeeze %dma_start3A_312 : memref<1x24x256xf32, #tpu.memory_space<vmem>> -> memref<24x256xf32, #tpu.memory_space<vmem>>
      %dma_start3A_314 = arith.constant 0 : i32
      %dma_start3A_315 = tpu.memref_slice %arg4[%add3A_308, %dma_start3A_314] : memref<7680x256xf32, #tpu.memory_space<hbm>> -> memref<24x256xf32, #tpu.memory_space<hbm>>
      %dma_start3A_316 = arith.constant 0 : i32
      %dma_start3A_317 = tpu.memref_slice %arg4[%add3A_308, %dma_start3A_316] : memref<7680x256xf32, #tpu.memory_space<hbm>> -> memref<24x256xf32, #tpu.memory_space<hbm>>
      %dma_start3A_318 = arith.constant 0 : i32
      %dma_start3A_319 = arith.constant 0 : i32
      %dma_start3A_320 = tpu.memref_slice %arg6[%dma_start3A_309, %dma_start3A_318, %dma_start3A_319] : memref<2x24x256xf32, #tpu.memory_space<vmem>> -> memref<1x24x256xf32, #tpu.memory_space<vmem>>
      %dma_start3A_321 = tpu.memref_squeeze %dma_start3A_320 : memref<1x24x256xf32, #tpu.memory_space<vmem>> -> memref<24x256xf32, #tpu.memory_space<vmem>>
      tpu.enqueue_dma source(%dma_start3A_321 : memref<24x256xf32, #tpu.memory_space<vmem>>) target(%dma_start3A_317 : memref<24x256xf32, #tpu.memory_space<hbm>>) target_semaphore(%arg9 : memref<!tpu.dma_semaphore, #tpu.memory_space<semaphore_mem>>)
    }
    %scan3A_45 = arith.constant 5 : i32
    %dma_wait3A = arith.constant 0 : i32
    %dma_wait3A_46 = arith.constant 0 : i32
    %dma_wait3A_47 = arith.constant 0 : i32
    %dma_wait3A_48 = tpu.memref_slice %arg6[%dma_wait3A, %dma_wait3A_46, %dma_wait3A_47] : memref<2x24x256xf32, #tpu.memory_space<vmem>> -> memref<1x24x256xf32, #tpu.memory_space<vmem>>
    %dma_wait3A_49 = tpu.memref_squeeze %dma_wait3A_48 : memref<1x24x256xf32, #tpu.memory_space<vmem>> -> memref<24x256xf32, #tpu.memory_space<vmem>>
    %dma_wait3A_50 = arith.constant 0 : i32
    %dma_wait3A_51 = arith.constant 0 : i32
    %dma_wait3A_52 = tpu.memref_slice %arg4[%dma_wait3A_50, %dma_wait3A_51] : memref<7680x256xf32, #tpu.memory_space<hbm>> -> memref<24x256xf32, #tpu.memory_space<hbm>>
    %dma_wait3A_53 = arith.constant 0 : i32
    %dma_wait3A_54 = arith.constant 0 : i32
    %dma_wait3A_55 = tpu.memref_slice %arg4[%dma_wait3A_53, %dma_wait3A_54] : memref<7680x256xf32, #tpu.memory_space<hbm>> -> memref<24x256xf32, #tpu.memory_space<hbm>>
    %dma_wait3A_56 = arith.constant 0 : i32
    %dma_wait3A_57 = arith.constant 0 : i32
    %dma_wait3A_58 = tpu.memref_slice %arg6[%dma_wait3A, %dma_wait3A_56, %dma_wait3A_57] : memref<2x24x256xf32, #tpu.memory_space<vmem>> -> memref<1x24x256xf32, #tpu.memory_space<vmem>>
    %dma_wait3A_59 = tpu.memref_squeeze %dma_wait3A_58 : memref<1x24x256xf32, #tpu.memory_space<vmem>> -> memref<24x256xf32, #tpu.memory_space<vmem>>
    tpu.wait_dma2 semaphore(%arg9 : memref<!tpu.dma_semaphore, #tpu.memory_space<semaphore_mem>>) src(%dma_wait3A_59 : memref<24x256xf32, #tpu.memory_space<vmem>>) dst(%dma_wait3A_55 : memref<24x256xf32, #tpu.memory_space<hbm>>)
    %dma_wait3A_60 = arith.constant 1 : i32
    %dma_wait3A_61 = arith.constant 0 : i32
    %dma_wait3A_62 = arith.constant 0 : i32
    %dma_wait3A_63 = tpu.memref_slice %arg6[%dma_wait3A_60, %dma_wait3A_61, %dma_wait3A_62] : memref<2x24x256xf32, #tpu.memory_space<vmem>> -> memref<1x24x256xf32, #tpu.memory_space<vmem>>
    %dma_wait3A_64 = tpu.memref_squeeze %dma_wait3A_63 : memref<1x24x256xf32, #tpu.memory_space<vmem>> -> memref<24x256xf32, #tpu.memory_space<vmem>>
    %dma_wait3A_65 = arith.constant 0 : i32
    %dma_wait3A_66 = arith.constant 0 : i32
    %dma_wait3A_67 = tpu.memref_slice %arg4[%dma_wait3A_65, %dma_wait3A_66] : memref<7680x256xf32, #tpu.memory_space<hbm>> -> memref<24x256xf32, #tpu.memory_space<hbm>>
    %dma_wait3A_68 = arith.constant 0 : i32
    %dma_wait3A_69 = arith.constant 0 : i32
    %dma_wait3A_70 = tpu.memref_slice %arg4[%dma_wait3A_68, %dma_wait3A_69] : memref<7680x256xf32, #tpu.memory_space<hbm>> -> memref<24x256xf32, #tpu.memory_space<hbm>>
    %dma_wait3A_71 = arith.constant 0 : i32
    %dma_wait3A_72 = arith.constant 0 : i32
    %dma_wait3A_73 = tpu.memref_slice %arg6[%dma_wait3A_60, %dma_wait3A_71, %dma_wait3A_72] : memref<2x24x256xf32, #tpu.memory_space<vmem>> -> memref<1x24x256xf32, #tpu.memory_space<vmem>>
    %dma_wait3A_74 = tpu.memref_squeeze %dma_wait3A_73 : memref<1x24x256xf32, #tpu.memory_space<vmem>> -> memref<24x256xf32, #tpu.memory_space<vmem>>
    tpu.wait_dma2 semaphore(%arg9 : memref<!tpu.dma_semaphore, #tpu.memory_space<semaphore_mem>>) src(%dma_wait3A_74 : memref<24x256xf32, #tpu.memory_space<vmem>>) dst(%dma_wait3A_70 : memref<24x256xf32, #tpu.memory_space<hbm>>)
    return
  }
}

module attributes {stable_mosaic.version = 14 : i64} {
  func.func @_tc_body(%arg0: i32, %arg1: memref<1x192x1024xf32, #tpu.memory_space<vmem>>, %arg2: memref<1x1x256xi32, #tpu.memory_space<vmem>>, %arg3: memref<1x192x256xf32, #tpu.memory_space<vmem>>) attributes {dimension_semantics = [#tpu.dimension_semantics<arbitrary>], iteration_bounds = array<i64: 24>, scalar_prefetch = 0 : i64, scratch_operands = 0 : i64, tpu.core_type = #tpu.core_type<tc>, window_params = [{transform_indices = @transform_0, window_bounds = array<i64: 1, 192, 1024>}, {transform_indices = @transform_1, window_bounds = array<i64: 1, 1, 256>}, {transform_indices = @transform_2, window_bounds = array<i64: 1, 192, 256>}]} {
    %get3A = arith.constant 0 : index
    %get3A_0 = arith.constant 0 : index
    %get3A_1 = arith.constant 0 : index
    %get3A_2 = vector.load %arg2[%get3A, %get3A_0, %get3A_1] : memref<1x1x256xi32, #tpu.memory_space<vmem>>, vector<1x1x256xi32>
    %get3A_3 = vector.shape_cast %get3A_2 : vector<1x1x256xi32> to vector<256xi32>
    %iota3A = tpu.iota {dimensions = array<i32: 0>} : vector<1024x256xi32>
    %broadcast_in_dim3A = vector.shape_cast %get3A_3 : vector<256xi32> to vector<1x256xi32>
    %eq3A = vector.broadcast %broadcast_in_dim3A : vector<1x256xi32> to vector<1024x256xi32>
    %eq3A_4 = arith.cmpi eq, %iota3A, %eq3A : vector<1024x256xi32>
    %convert_element_type3A = arith.extui %eq3A_4 : vector<1024x256xi1> to vector<1024x256xi32>
    %convert_element_type3A_5 = arith.sitofp %convert_element_type3A : vector<1024x256xi32> to vector<1024x256xf32>
    %get3A_6 = arith.constant 0 : index
    %get3A_7 = arith.constant 0 : index
    %get3A_8 = arith.constant 0 : index
    %get3A_9 = vector.load %arg1[%get3A_6, %get3A_7, %get3A_8] : memref<1x192x1024xf32, #tpu.memory_space<vmem>>, vector<1x192x1024xf32>
    %get3A_10 = vector.shape_cast %get3A_9 : vector<1x192x1024xf32> to vector<192x1024xf32>
    %dot_general3A = arith.constant dense<0.000000e+00> : vector<192x256xf32>
    %dot_general3A_11 = tpu.matmul %get3A_10, %convert_element_type3A_5, %dot_general3A {dimension_numbers = #tpu.dot_dimension_numbers<[1], [0], [0], [1], [0, 0, 1, 1], [], []>, precision = #tpu.contract_precision<fp32>, transpose_lhs_hint = false} : vector<192x1024xf32>, vector<1024x256xf32>, vector<192x256xf32> -> vector<192x256xf32>
    %swap3A = arith.constant 0 : index
    %swap3A_12 = arith.constant 0 : index
    %swap3A_13 = arith.constant 0 : index
    %swap3A_14 = vector.load %arg3[%swap3A, %swap3A_12, %swap3A_13] : memref<1x192x256xf32, #tpu.memory_space<vmem>>, vector<1x192x256xf32>
    %swap3A_15 = vector.shape_cast %swap3A_14 : vector<1x192x256xf32> to vector<192x256xf32>
    %swap3A_16 = vector.shape_cast %dot_general3A_11 : vector<192x256xf32> to vector<1x192x256xf32>
    tpu.vector_store %arg3[%swap3A, %swap3A_12, %swap3A_13], %swap3A_16 {strides = array<i32>} : memref<1x192x256xf32, #tpu.memory_space<vmem>>, vector<1x192x256xf32>,
    return
  }
  func.func @transform_0(%arg0: i32) -> (i32, i32, i32) {
    %add3A = arith.constant 40 : i32
    %add3A_0 = arith.addi %add3A, %arg0 : i32
    %c0_i32 = arith.constant 0 : i32
    %c0_i32_1 = arith.constant 0 : i32
    %c0_i32_2 = arith.constant 0 : i32
    return %add3A_0, %c0_i32, %c0_i32_1 : i32, i32, i32
  }
  func.func @transform_1(%arg0: i32) -> (i32, i32, i32) {
    %c0_i32 = arith.constant 0 : i32
    %c0_i32_0 = arith.constant 0 : i32
    %c0_i32_1 = arith.constant 0 : i32
    return %arg0, %c0_i32, %c0_i32_0 : i32, i32, i32
  }
  func.func @transform_2(%arg0: i32) -> (i32, i32, i32) {
    %c0_i32 = arith.constant 0 : i32
    %c0_i32_0 = arith.constant 0 : i32
    %c0_i32_1 = arith.constant 0 : i32
    return %arg0, %c0_i32, %c0_i32_0 : i32, i32, i32
  }
}

</mosaic_0001>

<sc_bundles>
// kernel: kernel.4.cloned.1.call-start
scs
__scs_entry_jumppad:
0x0: {  	(pc) =	sbr.rel $0x88, $3  }
0x1: {  	(tag) =	ssettag $0x0;
	lr =	simm.s32 $0x1  }
0x2: {  	[smem:$0x3FA0] =	sst lr;
	_ =	strace $0xD0000000  }
0x3: {  	_ = 	snop  }
0x4: {  	_ = 	snop  }
0x5: {  	_ = 	snop  }
0x6: {  	_ = 	snop  }
0x7: {  	_ = 	snop  }
__scs_overlays_trampoline_lowered:
0x8: {  	[smem:$0x3FAF] =	sst s0  }
0x9: {  	[smem:$0x3FB0] =	sst s1  }
0xa: {  	[smem:$0x3FB1] =	sst s2  }
0xb: {  	[smem:$0x3FB2] =	sst s3  }
0xc: {  	[smem:$0x3FB3] =	sst s4  }
0xd: {  	[smem:$0x3FB4] =	sst s5  }
0xe: {  	[smem:$0x3FB5] =	sst s6  }
0xf: {  	[smem:$0x3FB6] =	sst s7  }
0x10: {  	[smem:$0x3FB7] =	sst s8  }
0x11: {  	[smem:$0x3FB8] =	sst s9;
	s0 =	simm.s32 @!p0 $0x0  }
0x12: {  	s1 =	sld [smem:$0x3F9E];
	s0 =	simm.s32 @p0 $0x1  }
0x13: {  	[smem:$0x3FB9] =	sst s0;
	s0 =	simm.s32 @!p1 $0x0  }
0x14: {  	s2 =	sld [smem:$0x3F9D];
	s0 =	simm.s32 @p1 $0x1  }
0x15: {  	[smem:$0x3FBA] =	sst s0;
	s0 =	simm.s32 @!p2 $0x0  }
0x16: {  	s3 =	sld [smem:$0x3FDB];
	s0 =	simm.s32 @p2 $0x1  }
0x17: {  	s4 =	simm.s32 $0x1BF5;
	[smem:$0x3FBC] =	sst s0  }
0x18: {  	s0 =	sld [smem:$0x3F9F];
	_ =	swait.ge [sflag:s4], $0x0  }
0x19: {  	s7 =	sld [smem:$0x3FA0]  }
0x1a: {  	s8 =	sadd.s32 $0xFFFFE003, lr  }
0x1b: {  	s9 =	sadd.s32 $0xFFFFFEF7, lr;
	s5 =	simm.s32 $0xFFFFFFFF;
	p2 =	slt.u32 s8, $0xFFFFF086  }
0x1c: {  	p1 =	slt.u32 s9, $0xF7A;
	s5 =	simm.s32 @!p2 $0x0  }
0x1d: {  	s5 =	simm.s32 @p1 $0x1;
	p0 =	seq.s32 s7, s2  }
0x1e: {  	s7 =	smul.u32 @!p0 $0xF7A, s2;
	p2 =	seq.s32 @!p0 s5, $0x0  }
0x1f: {  	s9 =	smul.u32 $0xF7A, s1;
	s8 =	simm.s32 @!p0 $0x1BF5;
	p2 =	por !p2, p0  }
0x20: {  	[sflag:s8] =	ssyncset.s32 @!p0 $0xFFFFF086;
	s6 =	sadd.s32 @!p0 s3, s7;
	s7 =	simm.s32 @!p0 $0x108  }
0x21: {  	s3 =	sadd.s32 s3, s9;
	s6 =	sadd.s32 @!p0 $0x88, s6;
	s7 =	simm.s32 @p2 $0x1082  }
0x22: {  	[simem:s7], [sflag:s8] =	dma.local @!p0 [hbm:s6], $0xF7A  }
0x23: {  	s9 =	sor.u32 $0xD0000000, s2;
	s6 =	simm.s32 $0x108;
	_ =	swait.ge @!p0 [sflag:s8], $0x0  }
0x24: {  	s3 =	sadd.s32 $0x88, s3;
	s6 =	simm.s32 @!p1 $0x1082;
	[sflag:s4] =	ssyncset.s32 $0xFFFFF086  }
0x25: {  	[simem:s6], [sflag:s4] =	dma.local [hbm:s3], $0xF7A  }
0x26: {  	[smem:$0x3FA0] =	sst s1;
	(tag) =	ssettag s2;
	_ =	strace s9  }
0x27: {  	s1 =	sld [smem:$0x3FB0]  }
0x28: {  	s2 =	sld [smem:$0x3FB1]  }
0x29: {  	s4 =	sld [smem:$0x3FB3]  }
0x2a: {  	p0 =	seq.s32 s5, $0x0;
	s5 =	sld [smem:$0x3FB4]  }
0x2b: {  	s6 =	sld [smem:$0x3FB5]  }
0x2c: {  	s7 =	sld [smem:$0x3FB6]  }
0x2d: {  	s3 =	simm.s32 $0x108;
	s8 =	sld [smem:$0x3FB7]  }
0x2e: {  	s3 =	simm.s32 @!p0 $0x1082;
	s9 =	sld [smem:$0x3FB8]  }
0x2f: {  	lr =	sadd.s32 s0, s3;
	s0 =	sld [smem:$0x3FAF]  }
0x30: {  	s3 =	sld [smem:$0x3FB2]  }
0x31: {  	[smem:$0x3FBB] =	sst s10  }
0x32: {  	s10 =	sld [smem:$0x3FB9];
	_ =	sdelay $0x3  }
0x33: {  	p0 =	seq.s32 s10, $0x1;
	s10 =	sld [smem:$0x3FBB];
	_ =	sdelay $0x3  }
0x34: {  	[smem:$0x3FBB] =	sst s10  }
0x35: {  	s10 =	sld [smem:$0x3FBA];
	_ =	sdelay $0x3  }
0x36: {  	p1 =	seq.s32 s10, $0x1;
	s10 =	sld [smem:$0x3FBB];
	_ =	sdelay $0x3  }
0x37: {  	[smem:$0x3FBB] =	sst s10  }
0x38: {  	s10 =	sld [smem:$0x3FBC]  }
0x39: {  	_ = 	snop;
	(pc) =	sbr.ind lr, $3  }
0x3a: {  	_ = 	snop  }
0x3b: {  	_ = 	snop  }
0x3c: {  	p2 =	seq.s32 s10, $0x1;
	s10 =	sld [smem:$0x3FBB]  }
0x3d: {  	_ =	shalt  }
0x3e: {  	_ =	shalt  }
0x3f: {  	_ =	shalt  }
0x40: {  	_ =	shalt  }
0x41: {  	_ =	shalt  }
0x42: {  	_ =	shalt  }
0x43: {  	_ =	shalt  }
0x44: {  	_ =	shalt  }
0x45: {  	_ =	shalt  }
0x46: {  	_ =	shalt  }
0x47: {  	_ =	shalt  }
0x48: {  	_ =	shalt  }
0x49: {  	_ =	shalt  }
0x4a: {  	_ =	shalt  }
0x4b: {  	_ =	shalt  }
0x4c: {  	_ =	shalt  }
0x4d: {  	_ =	shalt  }
0x4e: {  	_ =	shalt  }
0x4f: {  	_ =	shalt  }
0x50: {  	_ =	shalt  }
0x51: {  	_ =	shalt  }
0x52: {  	_ =	shalt  }
0x53: {  	_ =	shalt  }
0x54: {  	_ =	shalt  }
0x55: {  	_ =	shalt  }
0x56: {  	_ =	shalt  }
0x57: {  	_ =	shalt  }
0x58: {  	_ =	shalt  }
0x59: {  	_ =	shalt  }
0x5a: {  	_ =	shalt  }
0x5b: {  	_ =	shalt  }
0x5c: {  	_ =	shalt  }
0x5d: {  	_ =	shalt  }
0x5e: {  	_ =	shalt  }
0x5f: {  	_ =	shalt  }
0x60: {  	_ =	shalt  }
0x61: {  	_ =	shalt  }
0x62: {  	_ =	shalt  }
0x63: {  	_ =	shalt  }
0x64: {  	_ =	shalt  }
0x65: {  	_ =	shalt  }
0x66: {  	_ =	shalt  }
0x67: {  	_ =	shalt  }
0x68: {  	_ =	shalt  }
0x69: {  	_ =	shalt  }
0x6a: {  	_ =	shalt  }
0x6b: {  	_ =	shalt  }
0x6c: {  	_ =	shalt  }
0x6d: {  	_ =	shalt  }
0x6e: {  	_ =	shalt  }
0x6f: {  	_ =	shalt  }
0x70: {  	_ =	shalt  }
0x71: {  	_ =	shalt  }
0x72: {  	_ =	shalt  }
0x73: {  	_ =	shalt  }
0x74: {  	_ =	shalt  }
0x75: {  	_ =	shalt  }
0x76: {  	_ =	shalt  }
0x77: {  	_ =	shalt  }
0x78: {  	_ =	shalt  }
0x79: {  	_ =	shalt  }
0x7a: {  	_ =	shalt  }
0x7b: {  	_ =	shalt  }
0x7c: {  	_ =	shalt  }
0x7d: {  	_ =	shalt  }
0x7e: {  	_ =	shalt  }
0x7f: {  	_ =	shalt  }
0x80: {  	_ =	shalt  }
0x81: {  	_ =	shalt  }
0x82: {  	_ =	shalt  }
0x83: {  	_ =	shalt  }
0x84: {  	_ =	shalt  }
0x85: {  	_ =	shalt  }
0x86: {  	_ =	shalt  }
0x87: {  	_ =	shalt  }
.Lfunc_end0:
.L_simem_size_0:
called_computation_lowered:
.L_overlay_start_0:
0x88: {  	s2 =	sld [smem:$0x3FD9]  }
0x89: {  	s3 =	sld [smem:$0x3FFE];
	_ =	sdelay $0x1  }
0x8a: {  	s1 =	srdreg.scid  }
0x8b: {  	s0 =	sand.u32 $0x1, s1  }
0x8c: {  	s14 =	sshll.u32 s0, $0xA;
	s2 =	sadd.s32 s3, s2  }
0x8d: {  	s2 =	sadd.s32 s2, s14  }
0x8e: {  	[smem:$0x3FC7] =	sst s2  }
0x8f: {  	_ = 	snop  }
0x90: {  	s2 =	sld [smem:$0x3FD0];
	_ =	sdelay $0x2  }
0x91: {  	s4 =	simm.s32 $0xA;
	s5 =	simm.s32 $0x10;
	s15 =	sld [smem:$0x3FC9]  }
0x92: {  	[smem:s5], [sflag:s4] =	dma.local [hbm:s2], $0x1  }
0x93: {  	_ =	swait.eq [sflag:s4], $0x1  }
0x94: {  	[sflag:s4] =	ssyncset.done $0x0  }
0x95: {  	[sflag:s4] =	ssyncadd.s32 $0xFFFFFFFF  }
0x96: {  	s16 =	sld [smem:$0x13];
	(tm) =	ssettm $0x1  }
0x97: {  	s17 =	sld [smem:$0x3FFB];
	_ =	sdelay $0x3  }
0x98: {  	_ =	strace s17  }
0x99: {  	s4 =	sld [smem:$0x3FFC];
	_ =	sdelay $0x3  }
0x9a: {  	_ =	strace s4  }
0x9b: {  	s4 =	sld [smem:$0x3FFD];
	_ =	sdelay $0x3  }
0x9c: {  	_ =	strace s4  }
0x9d: {  	_ =	strace $0x8FFFFFFF  }
0x9e: {  	s18 =	sld [smem:$0x3FDB];
	_ =	sdelay $0x1  }
0x9f: {  	s19 =	simm.s32 $_scs_section_size  }
0xa0: {  	s6 =	simm.s32 $_size__tile_overlayer_lowered;
	s7 =	simm.s32 $_tile_overlayer_lowered  }
0xa1: {  	s22 =	simm.s32 $0x1BFF;
	s21 =	sshll.u32 s7, $0x1;
	s4 =	sadd.s32 s19, s18  }
0xa2: {  	s8 =	simm.s32 $0x0;
	s20 =	sshll.u32 s6, $0x1;
	s6 =	sadd.s32 s21, s4  }
0xa3: {  	[timem:s8], [sflag:s22] =	dma.local [hbm:s6], s20  }
0xa4: {  	_ =	swait.ge [sflag:s22], s20  }
0xa5: {  	s5 =	ssub.s32 $0x0, s20;
	[sflag:s22] =	ssyncset.done $0x0  }
0xa6: {  	[sflag:s22] =	ssyncadd.s32 s5;
	_ =	sdelay $0x1  }
0xa7: {  	s23 =	simm.s32 $0x1B8B  }
0xa8: {  	_ =	swait.ge [sflag:s23], $0x1  }
0xa9: {  	[sflag:s23] =	ssyncset.done $0x0  }
0xaa: {  	s25 =	simm.s32 $0x1B8E;
	s24 =	sld [smem:$0x3FFE];
	[sflag:s23] =	ssyncadd.s32 $0xFFFFFFFF  }
0xab: {  	s26 =	simm.s32 $execute0_lowered;
	[smem:$0x3FD2] =	sst s25  }
0xac: {  	s6 =	sshll.u32 s26, $0x1;
	_ =	strace $0x80000046;
	[dreg:$0x1] =	wrdreg $0xFFFFFFFF  }
0xad: {  	s28 =	simm.s32 $_size_execute0_lowered;
	s4 =	sadd.s32 s4, s6;
	[dreg:$0x0] =	wrdreg $0x0  }
0xae: {  	s6 =	sshll.u32 s28, $0x1;
	[dreg:$0x2] =	wrdreg s4  }
0xaf: {  	[dreg:$0x3] =	wrdreg s6  }
0xb0: {  	[dreg:$0x4] =	wrdreg $0xC0  }
0xb1: {  	_ =	task [dreg:s8], $0x5FFFF  }
0xb2: {  	[dreg:$0x1] =	wrdreg $0xFFFFFFFF  }
0xb3: {  	[dreg:$0x0] =	wrdreg $0x60  }
0xb4: {  	[dreg:$0x2] =	wrdreg s15  }
0xb5: {  	[dreg:$0x3] =	wrdreg s16  }
0xb6: {  	[dreg:$0x4] =	wrdreg s24  }
0xb7: {  	[dreg:$0x5] =	wrdreg $0x9  }
0xb8: {  	_ =	task.clear_ibuf [dreg:s8], $0x6FFFF;
	_ =	strace $0x90000046  }
0xb9: {  	s29 =	simm.s32 $0x9;
	_ =	strace $0x80000048  }
0xba: {  	_ =	swait.ge [sflag:s29], $0x1  }
0xbb: {  	[sflag:s29] =	ssyncadd.s32 $0xFFFFFFFF  }
0xbc: {  	_ =	strace $0x90000048  }
0xbd: {  	_ =	sfence  }
0xbe: {  	s30 =	sld [smem:$0x0];
	_ =	sdelay $0x2  }
0xbf: {  	s31 =	sshll.u32 s1, $0xD;
	s1 =	sshrl.u32 s1, $0x2  }
0xc0: {  	s3 =	sand.u32 $0x4000, s31;
	s1 =	sadd.s32 s1, s30  }
0xc1: {  	s0 =	sor.u32 s3, s0;
	s1 =	sshll.u32 s1, $0x11  }
0xc2: {  	s0 =	sor.u32 s1, s0  }
0xc3: {  	s0 =	sadd.s32 $0x8F2B, s0  }
0xc4: {  	[sflag:s0] =	ssyncadd.remote.s32 $0x1  }
0xc5: {  	_ =	sfence.sel $0xFFFF  }
0xc6: {  	[dreg:$0x0] =	wrdreg $0xFFFFFFFF;
	(pc) =	sbr.abs _section_cstart, $3  }
0xc7: {  	[dreg:$0x1] =	wrdreg $0xFFFFFFFF  }
0xc8: {  	_ =	task.clear_ibuf [dreg:s8], $0x2FFFF;
	_ =	strace $0x9FFFFFFF  }
0xc9: {  	(tm) =	ssettm $0x7FFFFFFF  }
tec
execute0_lowered:
.L_overlay_start_1:
0x0: {  	(tag) =	ssettag $0x1  }
0x1: {  	s1 =	rddreg [dreg:$0x0]  }
0x2: {  	s7 =	rddreg [dreg:$0x1]  }
0x3: {  	s5 =	rddreg [dreg:$0x2]  }
0x4: {  	s0 =	rddreg [dreg:$0x3]  }
0x5: {  	s4 =	srdreg.scid;
	s2 =	stileid.u32  }
0x6: {  	s3 =	simm.s32 $0x0;
	s12 =	simm.s32 $0xF000;
	s13 =	simm.s32 $0x3  }
0x7: {  	s14 =	simm.s32 $0x6000;
	s15 =	simm.s32 $0x1;
	s16 =	simm.s32 $0xC000  }
0x8: {  	s17 =	simm.s32 $0x2;
	s18 =	simm.s32 $0xD800;
	s19 =	simm.s32 $0x0  }
0x9: {  	s6 =	sand.u32 $0x1, s4;
	s31 =	sshll.u32 s2, $0x1;
	[smem:$0x7FF] =	sst s3  }
0xa: {  	s9 =	sshrl.u32 s2, $0x1;
	s5 =	sadd.s32 $0xC00, s5;
	s8 =	sor.u32 s6, s31  }
0xb: {  	_ =	strace $0x80000047;
	s6 =	ssub.s32 $0x2, s6;
	s4 =	smul.u32 $0xF0, s8  }
0xc: {  	s9 =	sadd.s32 s9, s8;
	s11 =	sshrl.u32 s6, $0x1;
	s8 =	smul.u32 $0x7800, s8  }
0xd: {  	s10 =	smul.u32 $0xC0, s9;
	s9 =	sshll.u32 s9, $0x5;
	s11 =	ssub.s32 s6, s11  }
0xe: {  	s7 =	sadd.s32 s7, s9;
	s8 =	sadd.s32 s1, s8;
	s9 =	sadd.s32 $0x18, s4  }
0xf: {  	s11 =	smax.u32 s11, $0x1;
	s6 =	sadd.s32 $0xC0, s10;
	s10 =	sadd.s32 $0x30, s4  }
.LBB2_1:
0x10: {  	[tilespmem:s12], [sflag:$0x3] =	stream.linear.gather [hbm4b:s7+s3], $0x200, $0x38;
	[tilespmem:$0xF200] =	vst v63  }
0x11: {  	_ =	swait.ge [sflag:s13], $0x200  }
0x12: {  	[sflag:s13] =	ssyncset.done $0x0  }
0x13: {  	s20 =	simm.s32 $0x0;
	[sflag:s13] =	ssyncadd.s32 $0xFFFFFE00  }
0x14: {  	[tilespmem:s3], [sflag:$0x1] =	stream.linear.gather [hbm4b:s8+s3], $0x6000, $0x38;
	[tilespmem:$0xF200] =	vst v63  }
.LBB2_2:
0x15: {  	s22 =	smul.u32 $0x30, s20;
	_ =	sdelay $0x1  }
0x16: {  	s21 =	sadd.s32 s22, s9  }
0x17: {  	s23 =	sshll.u32 s21, $0x7  }
0x18: {  	s23 =	sadd.s32 s1, s23  }
0x19: {  	[tilespmem:s14], [sflag:$0x1] =	stream.linear.gather [hbm4b:s23+s3], $0x6000, $0x38;
	[tilespmem:$0xF200] =	vst v63  }
0x1a: {  	_ =	swait.ge [sflag:s15], $0x6000  }
0x1b: {  	p0 =	seq.s32 s20, $0x0;
	[sflag:s15] =	ssyncset.done $0x0  }
0x1c: {  	s24 =	simm.s32 @!p0 $0x2;
	[sflag:s15] =	ssyncadd.s32 $0xFFFFA000  }
0x1d: {  	s23 =	sadd.s32 s4, s22;
	_ =	swait.ge @!p0 [sflag:s24], $0x1800  }
0x1e: {  	s25 =	simm.s32 $0x0;
	p1 =	slt.u32 s23, s6;
	[sflag:s24] =	ssyncset.done @!p0 $0x0  }
0x1f: {  	s25 =	simm.s32 @!p1 $0x100;
	[sflag:s24] =	ssyncadd.s32 @!p0 $0xFFFFE800  }
0x20: {  	v0 =	vld [tilespmem:s25+$0xF000];
	_ =	sdelay $0x2  }
0x21: {  	v1 =	vld [tilespmem:s25+$0xF010]  }
0x22: {  	v2 =	vld [tilespmem:s25+$0xF020]  }
0x23: {  	v16 =	vimm.s32 $0x0;
	v3 =	vld [tilespmem:s25+$0xF030];
	v4 =	vshll.u32 v0, $0x3  }
0x24: {  	v6 =	vshll.u32 v16, $0xA;
	v5 =	vld [tilespmem:s25+$0xF040];
	v0 =	vand.u32 $0x7F, v0;
	v4 =	vand.u32 $0xFFFFFC00, v4  }
0x25: {  	v17 =	vand.u32 $0xFFFFE000, v6;
	v7 =	vld [tilespmem:s25+$0xF050];
	v0 =	vor.u32 v0, v4;
	v4 =	vshll.u32 v16, $0x7  }
0x26: {  	v6 =	vld [tilespmem:s25+$0xF060];
	v18 =	vand.u32 $0x380, v4;
	v4 =	vadd.s32 v0, v17  }
0x27: {  	v8 =	vld [tilespmem:s25+$0xF070];
	v4 =	vor.u32 v18, v4  }
0x28: {  	v9 =	vld [tilespmem:s25+$0xF080]  }
0x29: {  	v10 =	vld [tilespmem:s25+$0xF090];
	v11 =	vshll.u32 v1, $0x3  }
0x2a: {  	v12 =	vld [tilespmem:s25+$0xF0A0];
	v1 =	vand.u32 $0x7F, v1;
	v11 =	vand.u32 $0xFFFFFC00, v11  }
0x2b: {  	v13 =	vld [tilespmem:s25+$0xF0B0];
	v1 =	vor.u32 v1, v11  }
0x2c: {  	v11 =	vadd.s32 v1, v17;
	v4 =	vld.idx.msk [tilespmem:v4+s3+$0x0], $0xffff  }
0x2d: {  	v14 =	vld [tilespmem:s25+$0xF0C0];
	v11 =	vor.u32 v18, v11  }
0x2e: {  	s24 =	simm.s32 $0x0;
	v15 =	vld [tilespmem:s25+$0xF0D0]  }
0x2f: {  	v19 =	vld [tilespmem:s25+$0xF0E0];
	s26 =	sand.u32 $0x1800, s24;
	s28 =	sand.u32 $0x380, s24;
	v20 =	vshll.u32 v2, $0x3  }
0x30: {  	v21 =	vld [tilespmem:s25+$0xF0F0];
	s25 =	sor.u32 s28, s26;
	v2 =	vand.u32 $0x7F, v2;
	v20 =	vand.u32 $0xFFFFFC00, v20  }
0x31: {  	v2 =	vor.u32 v2, v20;
	[tilespmem:s25+$0xC000] =	vst v4  }
0x32: {  	v4 =	vld.idx.msk [tilespmem:v11+s3+$0x0], $0xffff;
	v11 =	vadd.s32 v2, v17  }
0x33: {  	v11 =	vor.u32 v18, v11;
	_ =	sdelay $0x1  }
0x34: {  	v20 =	vshll.u32 v3, $0x3  }
0x35: {  	v3 =	vand.u32 $0x7F, v3;
	v20 =	vand.u32 $0xFFFFFC00, v20  }
0x36: {  	v3 =	vor.u32 v3, v20;
	[tilespmem:s25+$0xC010] =	vst v4  }
0x37: {  	v4 =	vadd.s32 v3, v17;
	v11 =	vld.idx.msk [tilespmem:v11+s3+$0x0], $0xffff  }
0x38: {  	v20 =	vor.u32 v18, v4;
	_ =	sdelay $0x1  }
0x39: {  	v4 =	vshll.u32 v5, $0x3  }
0x3a: {  	v5 =	vand.u32 $0x7F, v5;
	v4 =	vand.u32 $0xFFFFFC00, v4  }
0x3b: {  	v4 =	vor.u32 v5, v4;
	[tilespmem:s25+$0xC020] =	vst v11  }
0x3c: {  	v5 =	vadd.s32 v4, v17;
	v11 =	vld.idx.msk [tilespmem:v20+s3+$0x0], $0xffff  }
0x3d: {  	v20 =	vor.u32 v18, v5;
	_ =	sdelay $0x1  }
0x3e: {  	v5 =	vshll.u32 v7, $0x3  }
0x3f: {  	v7 =	vand.u32 $0x7F, v7;
	v5 =	vand.u32 $0xFFFFFC00, v5  }
0x40: {  	v5 =	vor.u32 v7, v5;
	[tilespmem:s25+$0xC030] =	vst v11  }
0x41: {  	v11 =	vadd.s32 v5, v17;
	v7 =	vld.idx.msk [tilespmem:v20+s3+$0x0], $0xffff  }
0x42: {  	v11 =	vor.u32 v18, v11;
	_ =	sdelay $0x1  }
0x43: {  	v20 =	vshll.u32 v6, $0x3  }
0x44: {  	v6 =	vand.u32 $0x7F, v6;
	v20 =	vand.u32 $0xFFFFFC00, v20  }
0x45: {  	v6 =	vor.u32 v6, v20;
	[tilespmem:s25+$0xC040] =	vst v7  }
0x46: {  	v7 =	vadd.s32 v6, v17;
	v11 =	vld.idx.msk [tilespmem:v11+s3+$0x0], $0xffff  }
0x47: {  	v20 =	vor.u32 v18, v7;
	_ =	sdelay $0x1  }
0x48: {  	v7 =	vshll.u32 v8, $0x3  }
0x49: {  	v8 =	vand.u32 $0x7F, v8;
	v7 =	vand.u32 $0xFFFFFC00, v7  }
0x4a: {  	v7 =	vor.u32 v8, v7;
	[tilespmem:s25+$0xC050] =	vst v11  }
0x4b: {  	v8 =	vadd.s32 v7, v17;
	v11 =	vld.idx.msk [tilespmem:v20+s3+$0x0], $0xffff  }
0x4c: {  	v20 =	vor.u32 v18, v8;
	_ =	sdelay $0x1  }
0x4d: {  	v8 =	vshll.u32 v9, $0x3  }
0x4e: {  	v9 =	vand.u32 $0x7F, v9;
	v8 =	vand.u32 $0xFFFFFC00, v8  }
0x4f: {  	v8 =	vor.u32 v9, v8;
	[tilespmem:s25+$0xC060] =	vst v11  }
0x50: {  	v9 =	vadd.s32 v8, v17;
	v11 =	vld.idx.msk [tilespmem:v20+s3+$0x0], $0xffff  }
0x51: {  	v20 =	vor.u32 v18, v9;
	_ =	sdelay $0x1  }
0x52: {  	v9 =	vshll.u32 v10, $0x3  }
0x53: {  	v10 =	vand.u32 $0x7F, v10;
	v9 =	vand.u32 $0xFFFFFC00, v9  }
0x54: {  	v9 =	vor.u32 v10, v9;
	[tilespmem:s25+$0xC070] =	vst v11  }
0x55: {  	v10 =	vadd.s32 v9, v17;
	v11 =	vld.idx.msk [tilespmem:v20+s3+$0x0], $0xffff  }
0x56: {  	v20 =	vor.u32 v18, v10;
	_ =	sdelay $0x1  }
0x57: {  	v10 =	vshll.u32 v12, $0x3  }
0x58: {  	v12 =	vand.u32 $0x7F, v12;
	v10 =	vand.u32 $0xFFFFFC00, v10  }
0x59: {  	v10 =	vor.u32 v12, v10;
	[tilespmem:s25+$0xC400] =	vst v11  }
0x5a: {  	v11 =	vadd.s32 v10, v17;
	v12 =	vld.idx.msk [tilespmem:v20+s3+$0x0], $0xffff  }
0x5b: {  	v20 =	vor.u32 v18, v11;
	_ =	sdelay $0x1  }
0x5c: {  	v11 =	vshll.u32 v13, $0x3  }
0x5d: {  	v13 =	vand.u32 $0x7F, v13;
	v11 =	vand.u32 $0xFFFFFC00, v11  }
0x5e: {  	v11 =	vor.u32 v13, v11;
	[tilespmem:s25+$0xC410] =	vst v12  }
0x5f: {  	v12 =	vadd.s32 v11, v17;
	v13 =	vld.idx.msk [tilespmem:v20+s3+$0x0], $0xffff  }
0x60: {  	v20 =	vor.u32 v18, v12;
	_ =	sdelay $0x1  }
0x61: {  	v12 =	vshll.u32 v14, $0x3  }
0x62: {  	v14 =	vand.u32 $0x7F, v14;
	v12 =	vand.u32 $0xFFFFFC00, v12  }
0x63: {  	v12 =	vor.u32 v14, v12;
	[tilespmem:s25+$0xC420] =	vst v13  }
0x64: {  	v13 =	vadd.s32 v12, v17;
	v14 =	vld.idx.msk [tilespmem:v20+s3+$0x0], $0xffff  }
0x65: {  	v20 =	vor.u32 v18, v13;
	_ =	sdelay $0x1  }
0x66: {  	v13 =	vshll.u32 v15, $0x3  }
0x67: {  	v15 =	vand.u32 $0x7F, v15;
	v13 =	vand.u32 $0xFFFFFC00, v13  }
0x68: {  	v13 =	vor.u32 v15, v13;
	[tilespmem:s25+$0xC430] =	vst v14  }
0x69: {  	v14 =	vadd.s32 v13, v17;
	v15 =	vld.idx.msk [tilespmem:v20+s3+$0x0], $0xffff  }
0x6a: {  	v20 =	vor.u32 v18, v14;
	_ =	sdelay $0x3  }
0x6b: {  	v14 =	vshll.u32 v19, $0x3;
	[tilespmem:s25+$0xC440] =	vst v15  }
0x6c: {  	v19 =	vand.u32 $0x7F, v19;
	v14 =	vand.u32 $0xFFFFFC00, v14;
	v15 =	vld.idx.msk [tilespmem:v20+s3+$0x0], $0xffff  }
0x6d: {  	v14 =	vor.u32 v19, v14  }
0x6e: {  	v19 =	vadd.s32 v14, v17  }
0x6f: {  	v19 =	vor.u32 v18, v19;
	_ =	sdelay $0x1  }
0x70: {  	[tilespmem:s25+$0xC450] =	vst v15;
	v15 =	vshll.u32 v21, $0x3  }
0x71: {  	v20 =	vand.u32 $0x7F, v21;
	v15 =	vand.u32 $0xFFFFFC00, v15  }
0x72: {  	v15 =	vor.u32 v20, v15  }
0x73: {  	v19 =	vld.idx.msk [tilespmem:v19+s3+$0x0], $0xffff;
	v17 =	vadd.s32 v15, v17  }
0x74: {  	v18 =	vor.u32 v18, v17;
	_ =	sdelay $0x2  }
0x75: {  	v16 =	vadd.s32 $0x1, v16  }
0x76: {  	s26 =	simm.s32 $0x100;
	s28 =	simm.s32 $0x200;
	v17 =	vshll.u32 v16, $0xA;
	[tilespmem:s25+$0xC460] =	vst v19  }
.LBB2_3:
0x77: {  	p1 =	sne.s32 s28, $0x1700;
	v17 =	vand.u32 $0xFFFFE000, v17;
	v19 =	vshll.u32 v16, $0x7;
	v20 =	vld.idx.msk [tilespmem:v18+s3+$0x0], $0xffff  }
0x78: {  	v18 =	vand.u32 $0x380, v19;
	v19 =	vadd.s32 v0, v17  }
0x79: {  	v19 =	vor.u32 v18, v19;
	_ =	sdelay $0x3  }
0x7a: {  	[tilespmem:s25+$0xC470] =	vst v20  }
0x7b: {  	v19 =	vld.idx.msk [tilespmem:v19+s3+$0x0], $0xffff  }
0x7c: {  	v20 =	vadd.s32 v1, v17  }
0x7d: {  	v20 =	vor.u32 v18, v20  }
0x7e: {  	s24 =	sadd.s32 $0x80, s24  }
0x7f: {  	s29 =	sand.u32 $0x380, s24;
	s25 =	sand.u32 $0x1800, s26;
	s26 =	smov.u32 s28  }
0x80: {  	s25 =	sor.u32 s29, s25  }
0x81: {  	[tilespmem:s25+$0xC000] =	vst v19  }
0x82: {  	v19 =	vld.idx.msk [tilespmem:v20+s3+$0x0], $0xffff  }
0x83: {  	v20 =	vadd.s32 v2, v17  }
0x84: {  	v20 =	vor.u32 v18, v20;
	_ =	sdelay $0x3  }
0x85: {  	[tilespmem:s25+$0xC010] =	vst v19  }
0x86: {  	v19 =	vld.idx.msk [tilespmem:v20+s3+$0x0], $0xffff  }
0x87: {  	v20 =	vadd.s32 v3, v17  }
0x88: {  	v20 =	vor.u32 v18, v20;
	_ =	sdelay $0x3  }
0x89: {  	[tilespmem:s25+$0xC020] =	vst v19  }
0x8a: {  	v19 =	vld.idx.msk [tilespmem:v20+s3+$0x0], $0xffff  }
0x8b: {  	v20 =	vadd.s32 v4, v17  }
0x8c: {  	v20 =	vor.u32 v18, v20;
	_ =	sdelay $0x3  }
0x8d: {  	[tilespmem:s25+$0xC030] =	vst v19  }
0x8e: {  	v19 =	vld.idx.msk [tilespmem:v20+s3+$0x0], $0xffff  }
0x8f: {  	v20 =	vadd.s32 v5, v17  }
0x90: {  	v20 =	vor.u32 v18, v20;
	_ =	sdelay $0x3  }
0x91: {  	[tilespmem:s25+$0xC040] =	vst v19  }
0x92: {  	v19 =	vld.idx.msk [tilespmem:v20+s3+$0x0], $0xffff  }
0x93: {  	v20 =	vadd.s32 v6, v17  }
0x94: {  	v20 =	vor.u32 v18, v20;
	_ =	sdelay $0x3  }
0x95: {  	[tilespmem:s25+$0xC050] =	vst v19  }
0x96: {  	v19 =	vld.idx.msk [tilespmem:v20+s3+$0x0], $0xffff  }
0x97: {  	v20 =	vadd.s32 v7, v17  }
0x98: {  	v20 =	vor.u32 v18, v20;
	_ =	sdelay $0x3  }
0x99: {  	[tilespmem:s25+$0xC060] =	vst v19  }
0x9a: {  	v19 =	vld.idx.msk [tilespmem:v20+s3+$0x0], $0xffff  }
0x9b: {  	v20 =	vadd.s32 v8, v17  }
0x9c: {  	v20 =	vor.u32 v18, v20;
	_ =	sdelay $0x3  }
0x9d: {  	[tilespmem:s25+$0xC070] =	vst v19  }
0x9e: {  	v19 =	vld.idx.msk [tilespmem:v20+s3+$0x0], $0xffff  }
0x9f: {  	v20 =	vadd.s32 v9, v17  }
0xa0: {  	v20 =	vor.u32 v18, v20;
	_ =	sdelay $0x3  }
0xa1: {  	[tilespmem:s25+$0xC400] =	vst v19  }
0xa2: {  	v19 =	vld.idx.msk [tilespmem:v20+s3+$0x0], $0xffff  }
0xa3: {  	v20 =	vadd.s32 v10, v17  }
0xa4: {  	v20 =	vor.u32 v18, v20;
	_ =	sdelay $0x3  }
0xa5: {  	[tilespmem:s25+$0xC410] =	vst v19  }
0xa6: {  	v19 =	vld.idx.msk [tilespmem:v20+s3+$0x0], $0xffff  }
0xa7: {  	v20 =	vadd.s32 v11, v17  }
0xa8: {  	v20 =	vor.u32 v18, v20;
	_ =	sdelay $0x3  }
0xa9: {  	[tilespmem:s25+$0xC420] =	vst v19  }
0xaa: {  	v19 =	vld.idx.msk [tilespmem:v20+s3+$0x0], $0xffff  }
0xab: {  	v20 =	vadd.s32 v12, v17  }
0xac: {  	v20 =	vor.u32 v18, v20;
	_ =	sdelay $0x3  }
0xad: {  	[tilespmem:s25+$0xC430] =	vst v19  }
0xae: {  	v19 =	vld.idx.msk [tilespmem:v20+s3+$0x0], $0xffff  }
0xaf: {  	v20 =	vadd.s32 v13, v17  }
0xb0: {  	v20 =	vor.u32 v18, v20;
	_ =	sdelay $0x3  }
0xb1: {  	[tilespmem:s25+$0xC440] =	vst v19  }
0xb2: {  	v19 =	vld.idx.msk [tilespmem:v20+s3+$0x0], $0xffff  }
0xb3: {  	v20 =	vadd.s32 v14, v17  }
0xb4: {  	v20 =	vor.u32 v18, v20;
	_ =	sdelay $0x3  }
0xb5: {  	[tilespmem:s25+$0xC450] =	vst v19  }
0xb6: {  	v19 =	vld.idx.msk [tilespmem:v20+s3+$0x0], $0xffff  }
0xb7: {  	v17 =	vadd.s32 v15, v17  }
.Ltmp0:
0xb8: {  	v18 =	vor.u32 v18, v17;
	(pc) =	sbr.rel @p1 .LBB2_3-.Ltmp0, $3  }
0xb9: {  	_ =	sdelay $0x1  }
0xba: {  	v16 =	vadd.s32 $0x1, v16  }
0xbb: {  	s28 =	sadd.s32 $0x100, s28;
	v17 =	vshll.u32 v16, $0xA;
	[tilespmem:s25+$0xC460] =	vst v19  }
0xbc: {  	_ =	sdelay $0x2  }
0xbd: {  	v17 =	vand.u32 $0xFFFFE000, v17;
	v16 =	vshll.u32 v16, $0x7  }
0xbe: {  	v18 =	vld.idx.msk [tilespmem:v18+s3+$0x0], $0xffff;
	v16 =	vand.u32 $0x380, v16;
	v0 =	vadd.s32 v0, v17  }
0xbf: {  	v0 =	vor.u32 v16, v0;
	_ =	sdelay $0x3  }
0xc0: {  	[tilespmem:s25+$0xC470] =	vst v18  }
0xc1: {  	v1 =	vadd.s32 v1, v17;
	v0 =	vld.idx.msk [tilespmem:v0+s3+$0x0], $0xffff  }
0xc2: {  	v1 =	vor.u32 v16, v1  }
0xc3: {  	s24 =	sadd.s32 $0x80, s24  }
0xc4: {  	s31 =	sand.u32 $0x1800, s26;
	s24 =	sand.u32 $0x380, s24  }
0xc5: {  	s24 =	sor.u32 s24, s31  }
0xc6: {  	[tilespmem:s24+$0xC000] =	vst v0  }
0xc7: {  	v50 =	vadd.s32 v2, v17;
	v0 =	vld.idx.msk [tilespmem:v1+s3+$0x0], $0xffff  }
0xc8: {  	v1 =	vor.u32 v16, v50;
	_ =	sdelay $0x3  }
0xc9: {  	[tilespmem:s24+$0xC010] =	vst v0  }
0xca: {  	v51 =	vadd.s32 v3, v17;
	v0 =	vld.idx.msk [tilespmem:v1+s3+$0x0], $0xffff  }
0xcb: {  	v1 =	vor.u32 v16, v51;
	_ =	sdelay $0x3  }
0xcc: {  	[tilespmem:s24+$0xC020] =	vst v0  }
0xcd: {  	v52 =	vadd.s32 v4, v17;
	v0 =	vld.idx.msk [tilespmem:v1+s3+$0x0], $0xffff  }
0xce: {  	v1 =	vor.u32 v16, v52;
	_ =	sdelay $0x3  }
0xcf: {  	[tilespmem:s24+$0xC030] =	vst v0  }
0xd0: {  	v53 =	vadd.s32 v5, v17;
	v0 =	vld.idx.msk [tilespmem:v1+s3+$0x0], $0xffff  }
0xd1: {  	v1 =	vor.u32 v16, v53;
	_ =	sdelay $0x3  }
0xd2: {  	[tilespmem:s24+$0xC040] =	vst v0  }
0xd3: {  	v54 =	vadd.s32 v6, v17;
	v0 =	vld.idx.msk [tilespmem:v1+s3+$0x0], $0xffff  }
0xd4: {  	v1 =	vor.u32 v16, v54;
	_ =	sdelay $0x3  }
0xd5: {  	[tilespmem:s24+$0xC050] =	vst v0  }
0xd6: {  	v55 =	vadd.s32 v7, v17;
	v0 =	vld.idx.msk [tilespmem:v1+s3+$0x0], $0xffff  }
0xd7: {  	v1 =	vor.u32 v16, v55;
	_ =	sdelay $0x3  }
0xd8: {  	[tilespmem:s24+$0xC060] =	vst v0  }
0xd9: {  	v56 =	vadd.s32 v8, v17;
	v0 =	vld.idx.msk [tilespmem:v1+s3+$0x0], $0xffff  }
0xda: {  	v1 =	vor.u32 v16, v56;
	_ =	sdelay $0x3  }
0xdb: {  	[tilespmem:s24+$0xC070] =	vst v0  }
0xdc: {  	v57 =	vadd.s32 v9, v17;
	v0 =	vld.idx.msk [tilespmem:v1+s3+$0x0], $0xffff  }
0xdd: {  	v1 =	vor.u32 v16, v57;
	_ =	sdelay $0x3  }
0xde: {  	[tilespmem:s24+$0xC400] =	vst v0  }
0xdf: {  	v58 =	vadd.s32 v10, v17;
	v0 =	vld.idx.msk [tilespmem:v1+s3+$0x0], $0xffff  }
0xe0: {  	v1 =	vor.u32 v16, v58;
	_ =	sdelay $0x3  }
0xe1: {  	[tilespmem:s24+$0xC410] =	vst v0  }
0xe2: {  	v59 =	vadd.s32 v11, v17;
	v0 =	vld.idx.msk [tilespmem:v1+s3+$0x0], $0xffff  }
0xe3: {  	v1 =	vor.u32 v16, v59;
	_ =	sdelay $0x3  }
0xe4: {  	[tilespmem:s24+$0xC420] =	vst v0  }
0xe5: {  	v60 =	vadd.s32 v12, v17;
	v0 =	vld.idx.msk [tilespmem:v1+s3+$0x0], $0xffff  }
0xe6: {  	v1 =	vor.u32 v16, v60;
	_ =	sdelay $0x3  }
0xe7: {  	[tilespmem:s24+$0xC430] =	vst v0  }
0xe8: {  	v61 =	vadd.s32 v13, v17;
	v0 =	vld.idx.msk [tilespmem:v1+s3+$0x0], $0xffff  }
0xe9: {  	v1 =	vor.u32 v16, v61;
	_ =	sdelay $0x3  }
0xea: {  	[tilespmem:s24+$0xC440] =	vst v0  }
0xeb: {  	v62 =	vadd.s32 v14, v17;
	v0 =	vld.idx.msk [tilespmem:v1+s3+$0x0], $0xffff  }
0xec: {  	v1 =	vor.u32 v16, v62;
	_ =	sdelay $0x3  }
0xed: {  	[tilespmem:s24+$0xC450] =	vst v0  }
0xee: {  	v63 =	vadd.s32 v15, v17;
	v0 =	vld.idx.msk [tilespmem:v1+s3+$0x0], $0xffff  }
0xef: {  	v1 =	vor.u32 v16, v63;
	_ =	sdelay $0x3  }
0xf0: {  	[tilespmem:s24+$0xC460] =	vst v0  }
0xf1: {  	v0 =	vld.idx.msk [tilespmem:v1+s3+$0x0], $0xffff  }
0xf2: {  	p1 =	sne.s32 s20, $0x4  }
.Ltmp1:
0xf3: {  	_ = 	snop;
	(pc) =	sbr.rel @p1 .LBB2_6-.Ltmp1, $4  }
0xf4: {  	_ = 	snop  }
0xf5: {  	s23 =	sshll.u32 s23, $0x5  }
0xf6: {  	s23 =	sadd.s32 s5, s23;
	[tilespmem:s24+$0xC470] =	vst v0  }
0xf7: {  	[hbm4b:s23+s3] =	stream.linear.scatter [tilespmem:s16], [sflag:$0x2], $0x1800, $0x38;
	[tilespmem:$0xF200] =	vst v63  }
.Ltmp2:
0xf8: {  	(pc) =	sbr.rel .LBB2_7-.Ltmp2, $4  }
0xf9: {  	_ = 	snop  }
0xfa: {  	_ =	swait.ge [sflag:s15], $0x6000  }
0xfb: {  	[sflag:s15] =	ssyncset.done $0x0  }
0xfc: {  	[sflag:s15] =	ssyncadd.s32 $0xFFFFA000  }
.LBB2_6:
0xfd: {  	s22 =	sadd.s32 s22, s10  }
0xfe: {  	s22 =	sshll.u32 s22, $0x7  }
.Ltmp3:
0xff: {  	s22 =	sadd.s32 s1, s22;
	(pc) =	sbr.rel @p0 .LBB2_8-.Ltmp3, $4  }
0x100: {  	[tilespmem:s3], [sflag:$0x1] =	stream.linear.gather [hbm4b:s22+s3], $0x6000, $0x38;
	[tilespmem:$0xF200] =	vst v63  }
0x101: {  	_ =	swait.ge [sflag:s15], $0x6000  }
0x102: {  	[sflag:s15] =	ssyncset.done $0x0  }
0x103: {  	[sflag:s15] =	ssyncadd.s32 $0xFFFFA000  }
.LBB2_7:
0x104: {  	_ =	swait.ge [sflag:s17], $0x1800  }
0x105: {  	[sflag:s17] =	ssyncset.done $0x0  }
0x106: {  	[sflag:s17] =	ssyncadd.s32 $0xFFFFE800  }
.LBB2_8:
0x107: {  	p0 =	slt.u32 s21, s6;
	s23 =	simm.s32 $0x0  }
0x108: {  	s23 =	simm.s32 @!p0 $0x100  }
0x109: {  	v0 =	vld [tilespmem:s23+$0xF000];
	_ =	sdelay $0x2  }
0x10a: {  	v1 =	vld [tilespmem:s23+$0xF010]  }
0x10b: {  	v2 =	vld [tilespmem:s23+$0xF020]  }
0x10c: {  	v16 =	vimm.s32 $0x0;
	v3 =	vld [tilespmem:s23+$0xF030];
	v4 =	vshll.u32 v0, $0x3  }
0x10d: {  	v6 =	vshll.u32 v16, $0xA;
	v5 =	vld [tilespmem:s23+$0xF040];
	v0 =	vand.u32 $0x7F, v0;
	v4 =	vand.u32 $0xFFFFFC00, v4  }
0x10e: {  	v7 =	vld [tilespmem:s23+$0xF050];
	v17 =	vand.u32 $0xFFFFE000, v6;
	v0 =	vor.u32 v0, v4;
	v4 =	vshll.u32 v16, $0x7  }
0x10f: {  	v6 =	vld [tilespmem:s23+$0xF060];
	v18 =	vand.u32 $0x380, v4;
	v4 =	vadd.s32 v0, v17  }
0x110: {  	v8 =	vld [tilespmem:s23+$0xF070];
	v4 =	vor.u32 v18, v4  }
0x111: {  	v9 =	vld [tilespmem:s23+$0xF080]  }
0x112: {  	v10 =	vld [tilespmem:s23+$0xF090];
	v11 =	vshll.u32 v1, $0x3  }
0x113: {  	v12 =	vld [tilespmem:s23+$0xF0A0];
	v1 =	vand.u32 $0x7F, v1;
	v11 =	vand.u32 $0xFFFFFC00, v11  }
0x114: {  	v13 =	vld [tilespmem:s23+$0xF0B0];
	v1 =	vor.u32 v1, v11  }
0x115: {  	v11 =	vadd.s32 v1, v17;
	v4 =	vld.idx.msk [tilespmem:v4+s14+$0x0], $0xffff  }
0x116: {  	v14 =	vld [tilespmem:s23+$0xF0C0];
	v11 =	vor.u32 v18, v11  }
0x117: {  	s22 =	simm.s32 $0x0;
	v15 =	vld [tilespmem:s23+$0xF0D0]  }
0x118: {  	s24 =	sand.u32 $0x1800, s22;
	s25 =	sand.u32 $0x380, s22;
	v19 =	vld [tilespmem:s23+$0xF0E0];
	v20 =	vshll.u32 v2, $0x3  }
0x119: {  	v21 =	vld [tilespmem:s23+$0xF0F0];
	s23 =	sor.u32 s25, s24;
	v2 =	vand.u32 $0x7F, v2;
	v20 =	vand.u32 $0xFFFFFC00, v20  }
0x11a: {  	v2 =	vor.u32 v2, v20;
	[tilespmem:s23+$0xD800] =	vst v4  }
0x11b: {  	v4 =	vld.idx.msk [tilespmem:v11+s14+$0x0], $0xffff;
	v11 =	vadd.s32 v2, v17  }
0x11c: {  	v11 =	vor.u32 v18, v11;
	_ =	sdelay $0x1  }
0x11d: {  	v20 =	vshll.u32 v3, $0x3  }
0x11e: {  	v3 =	vand.u32 $0x7F, v3;
	v20 =	vand.u32 $0xFFFFFC00, v20  }
0x11f: {  	v3 =	vor.u32 v3, v20;
	[tilespmem:s23+$0xD810] =	vst v4  }
0x120: {  	v4 =	vadd.s32 v3, v17;
	v11 =	vld.idx.msk [tilespmem:v11+s14+$0x0], $0xffff  }
0x121: {  	v20 =	vor.u32 v18, v4;
	_ =	sdelay $0x1  }
0x122: {  	v4 =	vshll.u32 v5, $0x3  }
0x123: {  	v5 =	vand.u32 $0x7F, v5;
	v4 =	vand.u32 $0xFFFFFC00, v4  }
0x124: {  	v4 =	vor.u32 v5, v4;
	[tilespmem:s23+$0xD820] =	vst v11  }
0x125: {  	v5 =	vadd.s32 v4, v17;
	v11 =	vld.idx.msk [tilespmem:v20+s14+$0x0], $0xffff  }
0x126: {  	v20 =	vor.u32 v18, v5;
	_ =	sdelay $0x1  }
0x127: {  	v5 =	vshll.u32 v7, $0x3  }
0x128: {  	v7 =	vand.u32 $0x7F, v7;
	v5 =	vand.u32 $0xFFFFFC00, v5  }
0x129: {  	v5 =	vor.u32 v7, v5;
	[tilespmem:s23+$0xD830] =	vst v11  }
0x12a: {  	v11 =	vadd.s32 v5, v17;
	v7 =	vld.idx.msk [tilespmem:v20+s14+$0x0], $0xffff  }
0x12b: {  	v11 =	vor.u32 v18, v11;
	_ =	sdelay $0x1  }
0x12c: {  	v20 =	vshll.u32 v6, $0x3  }
0x12d: {  	v6 =	vand.u32 $0x7F, v6;
	v20 =	vand.u32 $0xFFFFFC00, v20  }
0x12e: {  	v6 =	vor.u32 v6, v20;
	[tilespmem:s23+$0xD840] =	vst v7  }
0x12f: {  	v7 =	vadd.s32 v6, v17;
	v11 =	vld.idx.msk [tilespmem:v11+s14+$0x0], $0xffff  }
0x130: {  	v20 =	vor.u32 v18, v7;
	_ =	sdelay $0x1  }
0x131: {  	v7 =	vshll.u32 v8, $0x3  }
0x132: {  	v8 =	vand.u32 $0x7F, v8;
	v7 =	vand.u32 $0xFFFFFC00, v7  }
0x133: {  	v7 =	vor.u32 v8, v7;
	[tilespmem:s23+$0xD850] =	vst v11  }
0x134: {  	v8 =	vadd.s32 v7, v17;
	v11 =	vld.idx.msk [tilespmem:v20+s14+$0x0], $0xffff  }
0x135: {  	v20 =	vor.u32 v18, v8;
	_ =	sdelay $0x1  }
0x136: {  	v8 =	vshll.u32 v9, $0x3  }
0x137: {  	v9 =	vand.u32 $0x7F, v9;
	v8 =	vand.u32 $0xFFFFFC00, v8  }
0x138: {  	v8 =	vor.u32 v9, v8;
	[tilespmem:s23+$0xD860] =	vst v11  }
0x139: {  	v9 =	vadd.s32 v8, v17;
	v11 =	vld.idx.msk [tilespmem:v20+s14+$0x0], $0xffff  }
0x13a: {  	v20 =	vor.u32 v18, v9;
	_ =	sdelay $0x1  }
0x13b: {  	v9 =	vshll.u32 v10, $0x3  }
0x13c: {  	v10 =	vand.u32 $0x7F, v10;
	v9 =	vand.u32 $0xFFFFFC00, v9  }
0x13d: {  	v9 =	vor.u32 v10, v9;
	[tilespmem:s23+$0xD870] =	vst v11  }
0x13e: {  	v10 =	vadd.s32 v9, v17;
	v11 =	vld.idx.msk [tilespmem:v20+s14+$0x0], $0xffff  }
0x13f: {  	v20 =	vor.u32 v18, v10;
	_ =	sdelay $0x1  }
0x140: {  	v10 =	vshll.u32 v12, $0x3  }
0x141: {  	v12 =	vand.u32 $0x7F, v12;
	v10 =	vand.u32 $0xFFFFFC00, v10  }
0x142: {  	v10 =	vor.u32 v12, v10;
	[tilespmem:s23+$0xDC00] =	vst v11  }
0x143: {  	v11 =	vadd.s32 v10, v17;
	v12 =	vld.idx.msk [tilespmem:v20+s14+$0x0], $0xffff  }
0x144: {  	v20 =	vor.u32 v18, v11;
	_ =	sdelay $0x1  }
0x145: {  	v11 =	vshll.u32 v13, $0x3  }
0x146: {  	v13 =	vand.u32 $0x7F, v13;
	v11 =	vand.u32 $0xFFFFFC00, v11  }
0x147: {  	v11 =	vor.u32 v13, v11;
	[tilespmem:s23+$0xDC10] =	vst v12  }
0x148: {  	v12 =	vadd.s32 v11, v17;
	v13 =	vld.idx.msk [tilespmem:v20+s14+$0x0], $0xffff  }
0x149: {  	v20 =	vor.u32 v18, v12;
	_ =	sdelay $0x1  }
0x14a: {  	v12 =	vshll.u32 v14, $0x3  }
0x14b: {  	v14 =	vand.u32 $0x7F, v14;
	v12 =	vand.u32 $0xFFFFFC00, v12  }
0x14c: {  	v12 =	vor.u32 v14, v12;
	[tilespmem:s23+$0xDC20] =	vst v13  }
0x14d: {  	v13 =	vadd.s32 v12, v17;
	v14 =	vld.idx.msk [tilespmem:v20+s14+$0x0], $0xffff  }
0x14e: {  	v20 =	vor.u32 v18, v13;
	_ =	sdelay $0x1  }
0x14f: {  	v13 =	vshll.u32 v15, $0x3  }
0x150: {  	v15 =	vand.u32 $0x7F, v15;
	v13 =	vand.u32 $0xFFFFFC00, v13  }
0x151: {  	v13 =	vor.u32 v15, v13;
	[tilespmem:s23+$0xDC30] =	vst v14  }
0x152: {  	v14 =	vadd.s32 v13, v17;
	v15 =	vld.idx.msk [tilespmem:v20+s14+$0x0], $0xffff  }
0x153: {  	v20 =	vor.u32 v18, v14;
	_ =	sdelay $0x3  }
0x154: {  	v14 =	vshll.u32 v19, $0x3;
	[tilespmem:s23+$0xDC40] =	vst v15  }
0x155: {  	v19 =	vand.u32 $0x7F, v19;
	v14 =	vand.u32 $0xFFFFFC00, v14;
	v15 =	vld.idx.msk [tilespmem:v20+s14+$0x0], $0xffff  }
0x156: {  	v14 =	vor.u32 v19, v14  }
0x157: {  	v19 =	vadd.s32 v14, v17  }
0x158: {  	v19 =	vor.u32 v18, v19;
	_ =	sdelay $0x1  }
0x159: {  	[tilespmem:s23+$0xDC50] =	vst v15;
	v15 =	vshll.u32 v21, $0x3  }
0x15a: {  	v20 =	vand.u32 $0x7F, v21;
	v15 =	vand.u32 $0xFFFFFC00, v15  }
0x15b: {  	v15 =	vor.u32 v20, v15  }
0x15c: {  	v19 =	vld.idx.msk [tilespmem:v19+s14+$0x0], $0xffff;
	v17 =	vadd.s32 v15, v17  }
0x15d: {  	v18 =	vor.u32 v18, v17;
	_ =	sdelay $0x2  }
0x15e: {  	v16 =	vadd.s32 $0x1, v16  }
0x15f: {  	s24 =	simm.s32 $0x100;
	s25 =	simm.s32 $0x200;
	v17 =	vshll.u32 v16, $0xA;
	[tilespmem:s23+$0xDC60] =	vst v19  }
.LBB2_9:
0x160: {  	p0 =	sne.s32 s25, $0x1700;
	v17 =	vand.u32 $0xFFFFE000, v17;
	v19 =	vshll.u32 v16, $0x7;
	v20 =	vld.idx.msk [tilespmem:v18+s14+$0x0], $0xffff  }
0x161: {  	v18 =	vand.u32 $0x380, v19;
	v19 =	vadd.s32 v0, v17  }
0x162: {  	v19 =	vor.u32 v18, v19;
	_ =	sdelay $0x3  }
0x163: {  	[tilespmem:s23+$0xDC70] =	vst v20  }
0x164: {  	v19 =	vld.idx.msk [tilespmem:v19+s14+$0x0], $0xffff  }
0x165: {  	v20 =	vadd.s32 v1, v17  }
0x166: {  	v20 =	vor.u32 v18, v20  }
0x167: {  	s22 =	sadd.s32 $0x80, s22  }
0x168: {  	s26 =	sand.u32 $0x380, s22;
	s23 =	sand.u32 $0x1800, s24;
	s24 =	smov.u32 s25  }
0x169: {  	s23 =	sor.u32 s26, s23  }
0x16a: {  	[tilespmem:s23+$0xD800] =	vst v19  }
0x16b: {  	v19 =	vld.idx.msk [tilespmem:v20+s14+$0x0], $0xffff  }
0x16c: {  	v20 =	vadd.s32 v2, v17  }
0x16d: {  	v20 =	vor.u32 v18, v20;
	_ =	sdelay $0x3  }
0x16e: {  	[tilespmem:s23+$0xD810] =	vst v19  }
0x16f: {  	v19 =	vld.idx.msk [tilespmem:v20+s14+$0x0], $0xffff  }
0x170: {  	v20 =	vadd.s32 v3, v17  }
0x171: {  	v20 =	vor.u32 v18, v20;
	_ =	sdelay $0x3  }
0x172: {  	[tilespmem:s23+$0xD820] =	vst v19  }
0x173: {  	v19 =	vld.idx.msk [tilespmem:v20+s14+$0x0], $0xffff  }
0x174: {  	v20 =	vadd.s32 v4, v17  }
0x175: {  	v20 =	vor.u32 v18, v20;
	_ =	sdelay $0x3  }
0x176: {  	[tilespmem:s23+$0xD830] =	vst v19  }
0x177: {  	v19 =	vld.idx.msk [tilespmem:v20+s14+$0x0], $0xffff  }
0x178: {  	v20 =	vadd.s32 v5, v17  }
0x179: {  	v20 =	vor.u32 v18, v20;
	_ =	sdelay $0x3  }
0x17a: {  	[tilespmem:s23+$0xD840] =	vst v19  }
0x17b: {  	v19 =	vld.idx.msk [tilespmem:v20+s14+$0x0], $0xffff  }
0x17c: {  	v20 =	vadd.s32 v6, v17  }
0x17d: {  	v20 =	vor.u32 v18, v20;
	_ =	sdelay $0x3  }
0x17e: {  	[tilespmem:s23+$0xD850] =	vst v19  }
0x17f: {  	v19 =	vld.idx.msk [tilespmem:v20+s14+$0x0], $0xffff  }
0x180: {  	v20 =	vadd.s32 v7, v17  }
0x181: {  	v20 =	vor.u32 v18, v20;
	_ =	sdelay $0x3  }
0x182: {  	[tilespmem:s23+$0xD860] =	vst v19  }
0x183: {  	v19 =	vld.idx.msk [tilespmem:v20+s14+$0x0], $0xffff  }
0x184: {  	v20 =	vadd.s32 v8, v17  }
0x185: {  	v20 =	vor.u32 v18, v20;
	_ =	sdelay $0x3  }
0x186: {  	[tilespmem:s23+$0xD870] =	vst v19  }
0x187: {  	v19 =	vld.idx.msk [tilespmem:v20+s14+$0x0], $0xffff  }
0x188: {  	v20 =	vadd.s32 v9, v17  }
0x189: {  	v20 =	vor.u32 v18, v20;
	_ =	sdelay $0x3  }
0x18a: {  	[tilespmem:s23+$0xDC00] =	vst v19  }
0x18b: {  	v19 =	vld.idx.msk [tilespmem:v20+s14+$0x0], $0xffff  }
0x18c: {  	v20 =	vadd.s32 v10, v17  }
0x18d: {  	v20 =	vor.u32 v18, v20;
	_ =	sdelay $0x3  }
0x18e: {  	[tilespmem:s23+$0xDC10] =	vst v19  }
0x18f: {  	v19 =	vld.idx.msk [tilespmem:v20+s14+$0x0], $0xffff  }
0x190: {  	v20 =	vadd.s32 v11, v17  }
0x191: {  	v20 =	vor.u32 v18, v20;
	_ =	sdelay $0x3  }
0x192: {  	[tilespmem:s23+$0xDC20] =	vst v19  }
0x193: {  	v19 =	vld.idx.msk [tilespmem:v20+s14+$0x0], $0xffff  }
0x194: {  	v20 =	vadd.s32 v12, v17  }
0x195: {  	v20 =	vor.u32 v18, v20;
	_ =	sdelay $0x3  }
0x196: {  	[tilespmem:s23+$0xDC30] =	vst v19  }
0x197: {  	v19 =	vld.idx.msk [tilespmem:v20+s14+$0x0], $0xffff  }
0x198: {  	v20 =	vadd.s32 v13, v17  }
0x199: {  	v20 =	vor.u32 v18, v20;
	_ =	sdelay $0x3  }
0x19a: {  	[tilespmem:s23+$0xDC40] =	vst v19  }
0x19b: {  	v19 =	vld.idx.msk [tilespmem:v20+s14+$0x0], $0xffff  }
0x19c: {  	v20 =	vadd.s32 v14, v17  }
0x19d: {  	v20 =	vor.u32 v18, v20;
	_ =	sdelay $0x3  }
0x19e: {  	[tilespmem:s23+$0xDC50] =	vst v19  }
0x19f: {  	v19 =	vld.idx.msk [tilespmem:v20+s14+$0x0], $0xffff  }
0x1a0: {  	v17 =	vadd.s32 v15, v17  }
.Ltmp4:
0x1a1: {  	v18 =	vor.u32 v18, v17;
	(pc) =	sbr.rel @p0 .LBB2_9-.Ltmp4, $3  }
0x1a2: {  	_ =	sdelay $0x1  }
0x1a3: {  	v16 =	vadd.s32 $0x1, v16  }
0x1a4: {  	s25 =	sadd.s32 $0x100, s25;
	v17 =	vshll.u32 v16, $0xA;
	[tilespmem:s23+$0xDC60] =	vst v19  }
0x1a5: {  	_ =	sdelay $0x2  }
0x1a6: {  	v17 =	vand.u32 $0xFFFFE000, v17;
	v16 =	vshll.u32 v16, $0x7  }
0x1a7: {  	v18 =	vld.idx.msk [tilespmem:v18+s14+$0x0], $0xffff;
	v16 =	vand.u32 $0x380, v16;
	v0 =	vadd.s32 v0, v17  }
0x1a8: {  	v0 =	vor.u32 v16, v0;
	_ =	sdelay $0x3  }
0x1a9: {  	[tilespmem:s23+$0xDC70] =	vst v18  }
0x1aa: {  	v1 =	vadd.s32 v1, v17;
	v0 =	vld.idx.msk [tilespmem:v0+s14+$0x0], $0xffff  }
0x1ab: {  	v1 =	vor.u32 v16, v1  }
0x1ac: {  	s22 =	sadd.s32 $0x80, s22  }
0x1ad: {  	s31 =	sand.u32 $0x1800, s24;
	s22 =	sand.u32 $0x380, s22  }
0x1ae: {  	s22 =	sor.u32 s22, s31  }
0x1af: {  	[tilespmem:s22+$0xD800] =	vst v0  }
0x1b0: {  	v50 =	vadd.s32 v2, v17;
	v0 =	vld.idx.msk [tilespmem:v1+s14+$0x0], $0xffff  }
0x1b1: {  	v1 =	vor.u32 v16, v50;
	_ =	sdelay $0x3  }
0x1b2: {  	[tilespmem:s22+$0xD810] =	vst v0  }
0x1b3: {  	v51 =	vadd.s32 v3, v17;
	v0 =	vld.idx.msk [tilespmem:v1+s14+$0x0], $0xffff  }
0x1b4: {  	v1 =	vor.u32 v16, v51;
	_ =	sdelay $0x3  }
0x1b5: {  	[tilespmem:s22+$0xD820] =	vst v0  }
0x1b6: {  	v52 =	vadd.s32 v4, v17;
	v0 =	vld.idx.msk [tilespmem:v1+s14+$0x0], $0xffff  }
0x1b7: {  	v1 =	vor.u32 v16, v52;
	_ =	sdelay $0x3  }
0x1b8: {  	[tilespmem:s22+$0xD830] =	vst v0  }
0x1b9: {  	v53 =	vadd.s32 v5, v17;
	v0 =	vld.idx.msk [tilespmem:v1+s14+$0x0], $0xffff  }
0x1ba: {  	v1 =	vor.u32 v16, v53;
	_ =	sdelay $0x3  }
0x1bb: {  	[tilespmem:s22+$0xD840] =	vst v0  }
0x1bc: {  	v54 =	vadd.s32 v6, v17;
	v0 =	vld.idx.msk [tilespmem:v1+s14+$0x0], $0xffff  }
0x1bd: {  	v1 =	vor.u32 v16, v54;
	_ =	sdelay $0x3  }
0x1be: {  	[tilespmem:s22+$0xD850] =	vst v0  }
0x1bf: {  	v55 =	vadd.s32 v7, v17;
	v0 =	vld.idx.msk [tilespmem:v1+s14+$0x0], $0xffff  }
0x1c0: {  	v1 =	vor.u32 v16, v55;
	_ =	sdelay $0x3  }
0x1c1: {  	[tilespmem:s22+$0xD860] =	vst v0  }
0x1c2: {  	v56 =	vadd.s32 v8, v17;
	v0 =	vld.idx.msk [tilespmem:v1+s14+$0x0], $0xffff  }
0x1c3: {  	v1 =	vor.u32 v16, v56;
	_ =	sdelay $0x3  }
0x1c4: {  	[tilespmem:s22+$0xD870] =	vst v0  }
0x1c5: {  	v57 =	vadd.s32 v9, v17;
	v0 =	vld.idx.msk [tilespmem:v1+s14+$0x0], $0xffff  }
0x1c6: {  	v1 =	vor.u32 v16, v57;
	_ =	sdelay $0x3  }
0x1c7: {  	[tilespmem:s22+$0xDC00] =	vst v0  }
0x1c8: {  	v58 =	vadd.s32 v10, v17;
	v0 =	vld.idx.msk [tilespmem:v1+s14+$0x0], $0xffff  }
0x1c9: {  	v1 =	vor.u32 v16, v58;
	_ =	sdelay $0x3  }
0x1ca: {  	[tilespmem:s22+$0xDC10] =	vst v0  }
0x1cb: {  	v59 =	vadd.s32 v11, v17;
	v0 =	vld.idx.msk [tilespmem:v1+s14+$0x0], $0xffff  }
0x1cc: {  	v1 =	vor.u32 v16, v59;
	_ =	sdelay $0x3  }
0x1cd: {  	[tilespmem:s22+$0xDC20] =	vst v0  }
0x1ce: {  	v60 =	vadd.s32 v12, v17;
	v0 =	vld.idx.msk [tilespmem:v1+s14+$0x0], $0xffff  }
0x1cf: {  	v1 =	vor.u32 v16, v60;
	_ =	sdelay $0x3  }
0x1d0: {  	[tilespmem:s22+$0xDC30] =	vst v0  }
0x1d1: {  	v61 =	vadd.s32 v13, v17;
	v0 =	vld.idx.msk [tilespmem:v1+s14+$0x0], $0xffff  }
0x1d2: {  	v1 =	vor.u32 v16, v61;
	_ =	sdelay $0x3  }
0x1d3: {  	[tilespmem:s22+$0xDC40] =	vst v0  }
0x1d4: {  	v62 =	vadd.s32 v14, v17;
	v0 =	vld.idx.msk [tilespmem:v1+s14+$0x0], $0xffff  }
0x1d5: {  	v1 =	vor.u32 v16, v62;
	_ =	sdelay $0x3  }
0x1d6: {  	[tilespmem:s22+$0xDC50] =	vst v0  }
0x1d7: {  	v63 =	vadd.s32 v15, v17;
	v0 =	vld.idx.msk [tilespmem:v1+s14+$0x0], $0xffff  }
0x1d8: {  	v1 =	vor.u32 v16, v63;
	_ =	sdelay $0x3  }
0x1d9: {  	[tilespmem:s22+$0xDC60] =	vst v0  }
0x1da: {  	s20 =	sadd.s32 $0x1, s20;
	v0 =	vld.idx.msk [tilespmem:v1+s14+$0x0], $0xffff  }
0x1db: {  	p0 =	sne.s32 s20, $0x5  }
.Ltmp5:
0x1dc: {  	_ = 	snop;
	(pc) =	sbr.rel @p0 .LBB2_2-.Ltmp5, $4  }
0x1dd: {  	_ = 	snop  }
0x1de: {  	s21 =	sshll.u32 s21, $0x5  }
0x1df: {  	s21 =	sadd.s32 s5, s21;
	[tilespmem:s22+$0xDC70] =	vst v0  }
0x1e0: {  	[hbm4b:s21+s3] =	stream.linear.scatter [tilespmem:s18], [sflag:$0x2], $0x1800, $0x38;
	[tilespmem:$0xF200] =	vst v63  }
0x1e1: {  	s19 =	sadd.s32 $0x1, s19  }
0x1e2: {  	_ =	swait.ge [sflag:s17], $0x1800;
	p0 =	sne.s32 s19, s11  }
.Ltmp6:
0x1e3: {  	[sflag:s17] =	ssyncset.done $0x0;
	(pc) =	sbr.rel @p0 .LBB2_1-.Ltmp6, $4  }
0x1e4: {  	[sflag:s17] =	ssyncadd.s32 $0xFFFFE800  }
0x1e5: {  	_ =	swait.ge [sflag:s17], $0x1800  }
0x1e6: {  	[sflag:s17] =	ssyncset.done $0x0  }
0x1e7: {  	[sflag:s17] =	ssyncadd.s32 $0xFFFFE800  }
0x1e8: {  	_ =	sfence.sel $0x180000  }
0x1e9: {  	[bflag:$0x0] =	sbarrier.arrive $0xFFFF  }
0x1ea: {  	p0 =	sne.s32 s2, $0x0;
	_ =	strace $0x90000047  }
0x1eb: {  	s0 =	sadd.s32 @!p0 $0x100000, s0;
	[bflag:$0x2] =	sbarrier.arrive $0xFFFF  }
0x1ec: {  	[sflag:s0] =	ssyncadd.tile.s32 @!p0 $0x1;
	_ =	shalt  }
.Lfunc_end2:
_tile_overlayer_lowered:
.L_overlay_start_2:
0x1ed: {  	(tag) =	ssettag $0x2  }
0x1ee: {  	s0 =	rddreg [dreg:$0x0];
	s2 =	stileid.u32  }
0x1ef: {  	s1 =	rddreg [dreg:$0x1];
	p0 =	sne.s32 s2, $0x0  }
0x1f0: {  	s3 =	rddreg [dreg:$0x2];
	[bflag:$0x3] =	sbarrier.arrive $0xFFFF;
	s2 =	simm.s32 @!p0 $0x1C03  }
0x1f1: {  	[timem:s3], [sflag:s2] =	dma.local @!p0 [hbm:s0], s1  }
0x1f2: {  	s0 =	simm.s32 @!p0 $0x3  }
0x1f3: {  	_ =	swait.ge @!p0 [sflag:s0], s1  }
0x1f4: {  	s1 =	ssub.s32 @!p0 $0x0, s1;
	[sflag:s0] =	ssyncset.done @!p0 $0x0  }
0x1f5: {  	[sflag:s0] =	ssyncadd.s32 @!p0 s1  }
0x1f6: {  	[bflag:$0x3] =	sbarrier.arrive $0xFFFF  }
0x1f7: {  	_ =	shalt  }

</sc_bundles>
